<compile_context>
chip_gen: v7x
topology: tpu7x:2x2x1
jax: 0.10.2.dev20260603
libtpu: 0.0.44.dev20260713+nightly
codegen_flags: <defaults>
</compile_context>

<pallas_src>
import functools

import jax
import jax.numpy as jnp
from jax import lax
from jax.experimental import pallas as pl
from jax.experimental.pallas import tpu as pltpu
from jax.experimental.pallas import tpu_sc as plsc

NC = 2
NS = 16
NW = NC * NS
LANES = 16
CHUNK = 128
GROUP = 40


def _round_up(n, m):
    return ((n + m - 1) // m) * m


@functools.lru_cache(maxsize=None)
def _make_deg_kernel(n_pad, kd):
    mesh = plsc.VectorSubcoreMesh(core_axis_name="c", subcore_axis_name="s")
    rows_per_tile = n_pad // NS

    @functools.partial(
        pl.kernel,
        out_type=jax.ShapeDtypeStruct((2, n_pad), jnp.float32),
        mesh=mesh,
        scratch_types=[
            pltpu.VMEM((kd, CHUNK), jnp.int32),
            pltpu.VMEM((CHUNK,), jnp.float32),
            pltpu.VMEM((rows_per_tile,), jnp.float32),
            pltpu.VMEM_SHARED((n_pad,), jnp.float32),
        ],
    )
    def deg_kernel(src_hbm, dst_hbm, out_hbm, idx_v, ones_v, z_v, cnt_sh):
        c = lax.axis_index("c")
        s = lax.axis_index("s")

        @pl.when(c == 0)
        def _():
            pltpu.sync_copy(src_hbm.at[s], idx_v)

        @pl.when(c != 0)
        def _():
            pltpu.sync_copy(dst_hbm.at[s], idx_v)

        zeros16 = jnp.zeros((LANES,), jnp.float32)
        ones16 = jnp.ones((LANES,), jnp.float32)
        for j in range(CHUNK // LANES):
            ones_v[pl.ds(j * LANES, LANES)] = ones16

        def zbody(i, carry):
            z_v[pl.ds(i * LANES, LANES)] = zeros16
            return carry

        lax.fori_loop(0, rows_per_tile // LANES, zbody, 0)
        pltpu.sync_copy(z_v, cnt_sh.at[pl.ds(s * rows_per_tile, rows_per_tile)])
        plsc.subcore_barrier()

        def body(k, carry):
            pltpu.sync_copy(ones_v, cnt_sh.at[idx_v.at[k]], add=True)
            return carry

        lax.fori_loop(0, kd, body, 0)
        plsc.subcore_barrier()
        pltpu.sync_copy(
            cnt_sh.at[pl.ds(s * rows_per_tile, rows_per_tile)],
            out_hbm.at[c, pl.ds(s * rows_per_tile, rows_per_tile)],
        )

    return deg_kernel


@functools.lru_cache(maxsize=None)
def _make_agg_kernel(n_pad, k0, k1, d):
    mesh = plsc.VectorSubcoreMesh(core_axis_name="c", subcore_axis_name="s")
    rows_per_tile = n_pad // NS

    @functools.partial(
        pl.kernel,
        out_type=jax.ShapeDtypeStruct((NC, n_pad, d), jnp.float32),
        mesh=mesh,
        scratch_types=[
            pltpu.VMEM((2, max(k0, k1), CHUNK), jnp.int32),
            pltpu.VMEM((CHUNK, d), jnp.float32),
            pltpu.VMEM_SHARED((n_pad, d), jnp.float32),
            pltpu.SemaphoreType.DMA,
        ],
    )
    def agg_kernel(ya_hbm, yb_hbm, edges_hbm, out_hbm, idx_v, rows0, acc_sh,
                   sem0):
        c = lax.axis_index("c")
        s = lax.axis_index("s")
        wid = c * NS + s

        zeros16 = jnp.zeros((LANES,), jnp.float32)

        def zbody(r, carry):
            for j in range(d // LANES):
                rows0[r, pl.ds(j * LANES, LANES)] = zeros16
            return carry

        lax.fori_loop(0, CHUNK, zbody, 0)
        base = s * rows_per_tile
        off = 0
        while off < rows_per_tile:
            sz = min(CHUNK, rows_per_tile - off)
            pltpu.sync_copy(rows0.at[pl.ds(0, sz)],
                            acc_sh.at[pl.ds(base + off, sz)])
            off += sz
        plsc.subcore_barrier()

        pltpu.sync_copy(edges_hbm.at[wid], idx_v)

        def run(y_hbm, lo, hi):
            def body(k, carry2):
                pltpu.async_copy(
                    y_hbm.at[idx_v.at[0, k]], rows0, sem0).wait()
                pltpu.sync_copy(rows0, acc_sh.at[idx_v.at[1, k]], add=True)
                return carry2

            lax.fori_loop(lo, hi, body, 0)

        @pl.when(c == 0)
        def _():
            run(ya_hbm, 0, k0)

        @pl.when(c == 1)
        def _():
            run(yb_hbm, 0, k1)

        plsc.subcore_barrier()
        pltpu.sync_copy(
            acc_sh.at[pl.ds(base, rows_per_tile)],
            out_hbm.at[c, pl.ds(base, rows_per_tile)],
        )

    return agg_kernel


def _tc1_body(x_ref, dego_ref, w_ref, o_ref, o2_ref):
    nsrc = lax.rsqrt(jnp.maximum(dego_ref[...], 1.0))
    y = jnp.dot(x_ref[...] * nsrc, w_ref[...],
                preferred_element_type=jnp.float32)
    o_ref[...] = y
    o2_ref[...] = y


def _tc2_body(p_ref, degi_ref, dego_ref, b1_ref, w_ref, o_ref, o2_ref):
    ndst = lax.rsqrt(jnp.maximum(degi_ref[...], 1.0))
    nsrc = lax.rsqrt(jnp.maximum(dego_ref[...], 1.0))
    h = jnp.maximum((p_ref[0] + p_ref[1]) * ndst + b1_ref[...], 0.0)
    y = jnp.dot(h * nsrc, w_ref[...], preferred_element_type=jnp.float32)
    o_ref[...] = y
    o2_ref[...] = y


def _tc3_body(p_ref, degi_ref, b2_ref, x_ref, o_ref):
    ndst = lax.rsqrt(jnp.maximum(degi_ref[...], 1.0))
    o_ref[...] = (p_ref[0] + p_ref[1]) * ndst + b2_ref[...] + x_ref[...]


def _tc1(x_pad, deg_o, w, blk):
    n_pad, d = x_pad.shape
    grid = n_pad // blk
    return pl.pallas_call(
        _tc1_body,
        grid=(grid,),
        in_specs=[
            pl.BlockSpec((blk, d), lambda i: (i, 0)),
            pl.BlockSpec((blk, 1), lambda i: (i, 0)),
            pl.BlockSpec((d, d), lambda i: (0, 0)),
        ],
        out_specs=[pl.BlockSpec((blk, d), lambda i: (i, 0)),
                   pl.BlockSpec((blk, d), lambda i: (i, 0))],
        out_shape=[jax.ShapeDtypeStruct((n_pad, d), jnp.float32),
                   jax.ShapeDtypeStruct((n_pad, d), jnp.float32)],
    )(x_pad, deg_o, w)


def _tc2(p, deg_i, deg_o, b1, w, blk):
    _, n_pad, d = p.shape
    grid = n_pad // blk
    return pl.pallas_call(
        _tc2_body,
        grid=(grid,),
        in_specs=[
            pl.BlockSpec((NC, blk, d), lambda i: (0, i, 0)),
            pl.BlockSpec((blk, 1), lambda i: (i, 0)),
            pl.BlockSpec((blk, 1), lambda i: (i, 0)),
            pl.BlockSpec((1, d), lambda i: (0, 0)),
            pl.BlockSpec((d, d), lambda i: (0, 0)),
        ],
        out_specs=[pl.BlockSpec((blk, d), lambda i: (i, 0)),
                   pl.BlockSpec((blk, d), lambda i: (i, 0))],
        out_shape=[jax.ShapeDtypeStruct((n_pad, d), jnp.float32),
                   jax.ShapeDtypeStruct((n_pad, d), jnp.float32)],
    )(p, deg_i, deg_o, b1, w)


def _tc3(p, deg_i, b2, x_pad, blk):
    _, n_pad, d = p.shape
    grid = n_pad // blk
    return pl.pallas_call(
        _tc3_body,
        grid=(grid,),
        in_specs=[
            pl.BlockSpec((NC, blk, d), lambda i: (0, i, 0)),
            pl.BlockSpec((blk, 1), lambda i: (i, 0)),
            pl.BlockSpec((1, d), lambda i: (0, 0)),
            pl.BlockSpec((blk, d), lambda i: (i, 0)),
        ],
        out_specs=pl.BlockSpec((blk, d), lambda i: (i, 0)),
        out_shape=jax.ShapeDtypeStruct((n_pad, d), jnp.float32),
    )(p, deg_i, b2, x_pad)


def kernel(x, edge_index, W1, b1, W2, b2):
    n, d = x.shape
    e = edge_index.shape[1]

    n_pad = _round_up(n + 1, NS * LANES)
    dummy = n_pad - 1

    n_chunks = ((e + CHUNK - 1) // CHUNK + 1) // 2 * 2
    k0 = int(n_chunks * 0.61) // NS
    k1 = (n_chunks - NS * k0 + NS - 1) // NS
    kd = (n_chunks + NS - 1) // NS
    e_pad = NS * (k0 + k1) * CHUNK

    pad = jnp.full((e_pad - e,), dummy, jnp.int32)
    src = jnp.concatenate([edge_index[0], pad])
    dst = jnp.concatenate([edge_index[1], pad])

    kmax = max(k0, k1)

    def _pack(a):
        c0 = a[:NS * k0 * CHUNK].reshape(NS, k0, CHUNK)
        c1 = a[NS * k0 * CHUNK:].reshape(NS, k1, CHUNK)
        parts = []
        for ci, ki in ((c0, k0), (c1, k1)):
            if ki < kmax:
                ci = jnp.concatenate(
                    [ci, jnp.full((NS, kmax - ki, CHUNK), dummy, jnp.int32)],
                    axis=1)
            parts.append(ci)
        return jnp.concatenate(parts, axis=0)

    edges_packed = jnp.stack([_pack(src), _pack(dst)], axis=1)

    e_deg = NS * kd * CHUNK
    pad_d = jnp.full((e_deg - e,), dummy, jnp.int32)
    src_d = jnp.concatenate([edge_index[0], pad_d]).reshape(NS, kd, CHUNK)
    dst_d = jnp.concatenate([edge_index[1], pad_d]).reshape(NS, kd, CHUNK)
    x_pad = jnp.concatenate(
        [x, jnp.zeros((n_pad - n, d), x.dtype)], axis=0)

    deg = _make_deg_kernel(n_pad, kd)(src_d, dst_d)
    deg_o = deg[0][:, None]
    deg_i = deg[1][:, None]

    blk = n_pad // 4
    agg = _make_agg_kernel(n_pad, k0, k1, d)

    y1a, y1b = _tc1(x_pad, deg_o, W1, blk)
    p1 = agg(y1a, y1b, edges_packed)
    y2a, y2b = _tc2(p1, deg_i, deg_o, b1[None, :], W2, blk)
    p2 = agg(y2a, y2b, edges_packed)
    out = _tc3(p2, deg_i, b2[None, :], x_pad, blk)
    return out[:n]

# --- scband reference (transcript-rebuilt; emitter-appended) ---
"""Pipeline reference for scband-conv-gnn-43379169689791 (READ-ONLY COPY).

The authoritative reference and input builder live on the scoring server;
editing this copy changes nothing except your own understanding.
"""

import jax, jax.numpy as jnp
import numpy as np

N_NODES = 10000
N_EDGES = 320000
IN_DIM = 128
HIDDEN_DIM = 128


def setup_inputs(seed: int = 0) -> dict:
    key = jax.random.key(seed)
    k1, k2, k3, k4 = jax.random.split(key, 4)
    x = jax.random.normal(k1, (N_NODES, IN_DIM), dtype=jnp.float32)
    edge_index = jax.random.randint(k2, (2, N_EDGES), 0, N_NODES, dtype=jnp.int32)
    # GraphConv layer1: in_dim -> hidden_dim (weight + bias)
    W1 = jax.random.normal(k3, (IN_DIM, HIDDEN_DIM), dtype=jnp.float32) * 0.05
    b1 = jnp.zeros((HIDDEN_DIM,), dtype=jnp.float32)
    # GraphConv layer2: hidden_dim -> in_dim (weight + bias)
    W2 = jax.random.normal(k4, (HIDDEN_DIM, IN_DIM), dtype=jnp.float32) * 0.05
    b2 = jnp.zeros((IN_DIM,), dtype=jnp.float32)
    return {"x": x, "edge_index": edge_index, "W1": W1, "b1": b1, "W2": W2, "b2": b2}


def _graph_conv_both(feat, src, dst, W, b, num_nodes):
    # DGL GraphConv with norm='both':
    #   out = D_dst^{-1/2} * A * (D_src^{-1/2} * feat) @ W + b
    ones = jnp.ones((src.shape[0],), dtype=feat.dtype)
    deg_out = jax.ops.segment_sum(ones, src, num_segments=num_nodes)  # out-degree of src nodes
    deg_in = jax.ops.segment_sum(ones, dst, num_segments=num_nodes)   # in-degree of dst nodes
    norm_src = jax.lax.rsqrt(jnp.clip(deg_out, 1.0, None))
    norm_dst = jax.lax.rsqrt(jnp.clip(deg_in, 1.0, None))
    h = feat * norm_src[:, None]
    msg = jnp.take(h, src, axis=0)                      # gather over edges
    agg = jax.ops.segment_sum(msg, dst, num_segments=num_nodes)  # scatter-add to dst
    agg = agg * norm_dst[:, None]
    return agg @ W + b


def reference(x, edge_index, W1, b1, W2, b2):
    src = edge_index[0]
    dst = edge_index[1]
    n = x.shape[0]
    h = _graph_conv_both(x, src, dst, W1, b1, n)
    h = jax.nn.relu(h)
    h1 = _graph_conv_both(h, src, dst, W2, b2, n)
    return h1 + x

if __name__ == "__main__":
    import jax
    _d = setup_inputs()
    print(jax.jit(kernel)(*tuple(_d.values())))

</pallas_src>

<mosaic_0001>
#map = affine_map<(d0, d1) -> (0, 0)>
#map1 = affine_map<(d0, d1) -> (0, 0, 0, 0)>
#map2 = affine_map<(d0, d1) -> (0, 0, 0)>
module attributes {stable_mosaic.version = 14 : i64} {
  func.func @agg_kernel(%arg0: i32, %arg1: i32, %arg2: memref<10240x128xf32, #tpu.memory_space<hbm>>, %arg3: memref<10240x128xf32, #tpu.memory_space<hbm>>, %arg4: memref<32x2x95x128xi32, #tpu.memory_space<hbm>>, %arg5: memref<2x10240x128xf32, #tpu.memory_space<hbm>>, %arg6: memref<2x95x128xi32, #tpu.memory_space<vmem>>, %arg7: memref<128x128xf32, #tpu.memory_space<vmem>>, %arg8: memref<10240x128xf32, #tpu.memory_space<vmem_shared>>, %arg9: memref<!tpu.dma_semaphore, #tpu.memory_space<semaphore_mem>>) attributes {dimension_semantics = [#tpu.dimension_semantics<core_parallel>, #tpu.dimension_semantics<subcore_parallel>], iteration_bounds = array<i64: 2, 16>, scalar_prefetch = 0 : i64, scratch_operands = 4 : i64, tpu.core_type = #tpu.core_type<sc_vector_subcore>, window_params = [{transform_indices = #map}, {transform_indices = #map}, {transform_indices = #map1}, {transform_indices = #map2}]} {
    %mul3A = arith.constant 16 : i32
    %mul3A_0 = arith.muli %arg0, %mul3A : i32
    %add3A = arith.addi %mul3A_0, %arg1 : i32
    %broadcast_in_dim3A = arith.constant 0.000000e+00 : f32
    %broadcast_in_dim3A_1 = vector.broadcast %broadcast_in_dim3A : f32 to vector<16xf32>
    %scan3A = arith.constant 0 : i32
    %scan3A_2 = arith.constant 0 : i32
    %scan3A_3 = arith.constant 128 : i32
    %scan3A_4 = arith.addi %scan3A_2, %scan3A_3 : i32
    %scan3A_5 = arith.constant 1 : i32
    scf.for %scan3A_27 = %scan3A_2 to %scan3A_4 step %scan3A_5  : i32 {
      %swap3A = arith.index_cast %scan3A_27 : i32 to index
      %swap3A_28 = arith.constant 0 : index
      %swap3A_29 = tpu.vector_load %arg7[%swap3A, %swap3A_28] {strides = array<i32>} : memref<128x128xf32, #tpu.memory_space<vmem>>, vector<1x16xf32>,
      %swap3A_30 = vector.shape_cast %swap3A_29 : vector<1x16xf32> to vector<16xf32>
      %swap3A_31 = vector.shape_cast %broadcast_in_dim3A_1 : vector<16xf32> to vector<1x16xf32>
      tpu.vector_store %arg7[%swap3A, %swap3A_28], %swap3A_31 {strides = array<i32>} : memref<128x128xf32, #tpu.memory_space<vmem>>, vector<1x16xf32>,
      %swap3A_32 = arith.index_cast %scan3A_27 : i32 to index
      %swap3A_33 = arith.constant 16 : index
      %swap3A_34 = tpu.vector_load %arg7[%swap3A_32, %swap3A_33] {strides = array<i32>} : memref<128x128xf32, #tpu.memory_space<vmem>>, vector<1x16xf32>,
      %swap3A_35 = vector.shape_cast %swap3A_34 : vector<1x16xf32> to vector<16xf32>
      %swap3A_36 = vector.shape_cast %broadcast_in_dim3A_1 : vector<16xf32> to vector<1x16xf32>
      tpu.vector_store %arg7[%swap3A_32, %swap3A_33], %swap3A_36 {strides = array<i32>} : memref<128x128xf32, #tpu.memory_space<vmem>>, vector<1x16xf32>,
      %swap3A_37 = arith.index_cast %scan3A_27 : i32 to index
      %swap3A_38 = arith.constant 32 : index
      %swap3A_39 = tpu.vector_load %arg7[%swap3A_37, %swap3A_38] {strides = array<i32>} : memref<128x128xf32, #tpu.memory_space<vmem>>, vector<1x16xf32>,
      %swap3A_40 = vector.shape_cast %swap3A_39 : vector<1x16xf32> to vector<16xf32>
      %swap3A_41 = vector.shape_cast %broadcast_in_dim3A_1 : vector<16xf32> to vector<1x16xf32>
      tpu.vector_store %arg7[%swap3A_37, %swap3A_38], %swap3A_41 {strides = array<i32>} : memref<128x128xf32, #tpu.memory_space<vmem>>, vector<1x16xf32>,
      %swap3A_42 = arith.index_cast %scan3A_27 : i32 to index
      %swap3A_43 = arith.constant 48 : index
      %swap3A_44 = tpu.vector_load %arg7[%swap3A_42, %swap3A_43] {strides = array<i32>} : memref<128x128xf32, #tpu.memory_space<vmem>>, vector<1x16xf32>,
      %swap3A_45 = vector.shape_cast %swap3A_44 : vector<1x16xf32> to vector<16xf32>
      %swap3A_46 = vector.shape_cast %broadcast_in_dim3A_1 : vector<16xf32> to vector<1x16xf32>
      tpu.vector_store %arg7[%swap3A_42, %swap3A_43], %swap3A_46 {strides = array<i32>} : memref<128x128xf32, #tpu.memory_space<vmem>>, vector<1x16xf32>,
      %swap3A_47 = arith.index_cast %scan3A_27 : i32 to index
      %swap3A_48 = arith.constant 64 : index
      %swap3A_49 = tpu.vector_load %arg7[%swap3A_47, %swap3A_48] {strides = array<i32>} : memref<128x128xf32, #tpu.memory_space<vmem>>, vector<1x16xf32>,
      %swap3A_50 = vector.shape_cast %swap3A_49 : vector<1x16xf32> to vector<16xf32>
      %swap3A_51 = vector.shape_cast %broadcast_in_dim3A_1 : vector<16xf32> to vector<1x16xf32>
      tpu.vector_store %arg7[%swap3A_47, %swap3A_48], %swap3A_51 {strides = array<i32>} : memref<128x128xf32, #tpu.memory_space<vmem>>, vector<1x16xf32>,
      %swap3A_52 = arith.index_cast %scan3A_27 : i32 to index
      %swap3A_53 = arith.constant 80 : index
      %swap3A_54 = tpu.vector_load %arg7[%swap3A_52, %swap3A_53] {strides = array<i32>} : memref<128x128xf32, #tpu.memory_space<vmem>>, vector<1x16xf32>,
      %swap3A_55 = vector.shape_cast %swap3A_54 : vector<1x16xf32> to vector<16xf32>
      %swap3A_56 = vector.shape_cast %broadcast_in_dim3A_1 : vector<16xf32> to vector<1x16xf32>
      tpu.vector_store %arg7[%swap3A_52, %swap3A_53], %swap3A_56 {strides = array<i32>} : memref<128x128xf32, #tpu.memory_space<vmem>>, vector<1x16xf32>,
      %swap3A_57 = arith.index_cast %scan3A_27 : i32 to index
      %swap3A_58 = arith.constant 96 : index
      %swap3A_59 = tpu.vector_load %arg7[%swap3A_57, %swap3A_58] {strides = array<i32>} : memref<128x128xf32, #tpu.memory_space<vmem>>, vector<1x16xf32>,
      %swap3A_60 = vector.shape_cast %swap3A_59 : vector<1x16xf32> to vector<16xf32>
      %swap3A_61 = vector.shape_cast %broadcast_in_dim3A_1 : vector<16xf32> to vector<1x16xf32>
      tpu.vector_store %arg7[%swap3A_57, %swap3A_58], %swap3A_61 {strides = array<i32>} : memref<128x128xf32, #tpu.memory_space<vmem>>, vector<1x16xf32>,
      %swap3A_62 = arith.index_cast %scan3A_27 : i32 to index
      %swap3A_63 = arith.constant 112 : index
      %swap3A_64 = tpu.vector_load %arg7[%swap3A_62, %swap3A_63] {strides = array<i32>} : memref<128x128xf32, #tpu.memory_space<vmem>>, vector<1x16xf32>,
      %swap3A_65 = vector.shape_cast %swap3A_64 : vector<1x16xf32> to vector<16xf32>
      %swap3A_66 = vector.shape_cast %broadcast_in_dim3A_1 : vector<16xf32> to vector<1x16xf32>
      tpu.vector_store %arg7[%swap3A_62, %swap3A_63], %swap3A_66 {strides = array<i32>} : memref<128x128xf32, #tpu.memory_space<vmem>>, vector<1x16xf32>,
    }
    %scan3A_6 = arith.constant 128 : i32
    %mul3A_7 = arith.constant 640 : i32
    %mul3A_8 = arith.muli %arg1, %mul3A_7 : i32
    %add3A_9 = arith.constant 0 : i32
    %add3A_10 = arith.addi %mul3A_8, %add3A_9 : i32
    "tpu.region"() ({
      %run_scoped3A = tpu.sem_alloc : memref<!tpu.dma_semaphore, #tpu.memory_space<semaphore_mem>>
      %dma_start3A = arith.constant 0 : i32
      %dma_start3A_27 = arith.constant 0 : i32
      %dma_start3A_28 = tpu.memref_slice %arg7[%dma_start3A, %dma_start3A_27] : memref<128x128xf32, #tpu.memory_space<vmem>> -> memref<128x128xf32, #tpu.memory_space<vmem>>
      %dma_start3A_29 = arith.constant 0 : i32
      %dma_start3A_30 = tpu.memref_slice %arg8[%add3A_10, %dma_start3A_29] : memref<10240x128xf32, #tpu.memory_space<vmem_shared>> -> memref<128x128xf32, #tpu.memory_space<vmem_shared>>
      %dma_start3A_31 = arith.constant 0 : i32
      %dma_start3A_32 = tpu.memref_slice %arg8[%add3A_10, %dma_start3A_31] : memref<10240x128xf32, #tpu.memory_space<vmem_shared>> -> memref<128x128xf32, #tpu.memory_space<vmem_shared>>
      %dma_start3A_33 = arith.constant 0 : i32
      %dma_start3A_34 = arith.constant 0 : i32
      %dma_start3A_35 = tpu.memref_slice %arg7[%dma_start3A_33, %dma_start3A_34] : memref<128x128xf32, #tpu.memory_space<vmem>> -> memref<128x128xf32, #tpu.memory_space<vmem>>
      tpu.enqueue_dma source(%dma_start3A_35 : memref<128x128xf32, #tpu.memory_space<vmem>>) target(%dma_start3A_32 : memref<128x128xf32, #tpu.memory_space<vmem_shared>>) target_semaphore(%run_scoped3A : memref<!tpu.dma_semaphore, #tpu.memory_space<semaphore_mem>>)
      %dma_wait3A = arith.constant 0 : i32
      %dma_wait3A_36 = arith.constant 0 : i32
      %dma_wait3A_37 = tpu.memref_slice %arg7[%dma_wait3A, %dma_wait3A_36] : memref<128x128xf32, #tpu.memory_space<vmem>> -> memref<128x128xf32, #tpu.memory_space<vmem>>
      %dma_wait3A_38 = arith.constant 0 : i32
      %dma_wait3A_39 = tpu.memref_slice %arg8[%add3A_10, %dma_wait3A_38] : memref<10240x128xf32, #tpu.memory_space<vmem_shared>> -> memref<128x128xf32, #tpu.memory_space<vmem_shared>>
      %dma_wait3A_40 = arith.constant 0 : i32
      %dma_wait3A_41 = tpu.memref_slice %arg8[%add3A_10, %dma_wait3A_40] : memref<10240x128xf32, #tpu.memory_space<vmem_shared>> -> memref<128x128xf32, #tpu.memory_space<vmem_shared>>
      %dma_wait3A_42 = arith.constant 0 : i32
      %dma_wait3A_43 = arith.constant 0 : i32
      %dma_wait3A_44 = tpu.memref_slice %arg7[%dma_wait3A_42, %dma_wait3A_43] : memref<128x128xf32, #tpu.memory_space<vmem>> -> memref<128x128xf32, #tpu.memory_space<vmem>>
      tpu.wait_dma2 semaphore(%run_scoped3A : memref<!tpu.dma_semaphore, #tpu.memory_space<semaphore_mem>>) src(%dma_wait3A_44 : memref<128x128xf32, #tpu.memory_space<vmem>>) dst(%dma_wait3A_41 : memref<128x128xf32, #tpu.memory_space<vmem_shared>>)
      tpu.yield
    }) : () -> ()
    %add3A_11 = arith.constant 128 : i32
    %add3A_12 = arith.addi %mul3A_8, %add3A_11 : i32
    "tpu.region"() ({
      %run_scoped3A = tpu.sem_alloc : memref<!tpu.dma_semaphore, #tpu.memory_space<semaphore_mem>>
      %dma_start3A = arith.constant 0 : i32
      %dma_start3A_27 = arith.constant 0 : i32
      %dma_start3A_28 = tpu.memref_slice %arg7[%dma_start3A, %dma_start3A_27] : memref<128x128xf32, #tpu.memory_space<vmem>> -> memref<128x128xf32, #tpu.memory_space<vmem>>
      %dma_start3A_29 = arith.constant 0 : i32
      %dma_start3A_30 = tpu.memref_slice %arg8[%add3A_12, %dma_start3A_29] : memref<10240x128xf32, #tpu.memory_space<vmem_shared>> -> memref<128x128xf32, #tpu.memory_space<vmem_shared>>
      %dma_start3A_31 = arith.constant 0 : i32
      %dma_start3A_32 = tpu.memref_slice %arg8[%add3A_12, %dma_start3A_31] : memref<10240x128xf32, #tpu.memory_space<vmem_shared>> -> memref<128x128xf32, #tpu.memory_space<vmem_shared>>
      %dma_start3A_33 = arith.constant 0 : i32
      %dma_start3A_34 = arith.constant 0 : i32
      %dma_start3A_35 = tpu.memref_slice %arg7[%dma_start3A_33, %dma_start3A_34] : memref<128x128xf32, #tpu.memory_space<vmem>> -> memref<128x128xf32, #tpu.memory_space<vmem>>
      tpu.enqueue_dma source(%dma_start3A_35 : memref<128x128xf32, #tpu.memory_space<vmem>>) target(%dma_start3A_32 : memref<128x128xf32, #tpu.memory_space<vmem_shared>>) target_semaphore(%run_scoped3A : memref<!tpu.dma_semaphore, #tpu.memory_space<semaphore_mem>>)
      %dma_wait3A = arith.constant 0 : i32
      %dma_wait3A_36 = arith.constant 0 : i32
      %dma_wait3A_37 = tpu.memref_slice %arg7[%dma_wait3A, %dma_wait3A_36] : memref<128x128xf32, #tpu.memory_space<vmem>> -> memref<128x128xf32, #tpu.memory_space<vmem>>
      %dma_wait3A_38 = arith.constant 0 : i32
      %dma_wait3A_39 = tpu.memref_slice %arg8[%add3A_12, %dma_wait3A_38] : memref<10240x128xf32, #tpu.memory_space<vmem_shared>> -> memref<128x128xf32, #tpu.memory_space<vmem_shared>>
      %dma_wait3A_40 = arith.constant 0 : i32
      %dma_wait3A_41 = tpu.memref_slice %arg8[%add3A_12, %dma_wait3A_40] : memref<10240x128xf32, #tpu.memory_space<vmem_shared>> -> memref<128x128xf32, #tpu.memory_space<vmem_shared>>
      %dma_wait3A_42 = arith.constant 0 : i32
      %dma_wait3A_43 = arith.constant 0 : i32
      %dma_wait3A_44 = tpu.memref_slice %arg7[%dma_wait3A_42, %dma_wait3A_43] : memref<128x128xf32, #tpu.memory_space<vmem>> -> memref<128x128xf32, #tpu.memory_space<vmem>>
      tpu.wait_dma2 semaphore(%run_scoped3A : memref<!tpu.dma_semaphore, #tpu.memory_space<semaphore_mem>>) src(%dma_wait3A_44 : memref<128x128xf32, #tpu.memory_space<vmem>>) dst(%dma_wait3A_41 : memref<128x128xf32, #tpu.memory_space<vmem_shared>>)
      tpu.yield
    }) : () -> ()
    %add3A_13 = arith.constant 256 : i32
    %add3A_14 = arith.addi %mul3A_8, %add3A_13 : i32
    "tpu.region"() ({
      %run_scoped3A = tpu.sem_alloc : memref<!tpu.dma_semaphore, #tpu.memory_space<semaphore_mem>>
      %dma_start3A = arith.constant 0 : i32
      %dma_start3A_27 = arith.constant 0 : i32
      %dma_start3A_28 = tpu.memref_slice %arg7[%dma_start3A, %dma_start3A_27] : memref<128x128xf32, #tpu.memory_space<vmem>> -> memref<128x128xf32, #tpu.memory_space<vmem>>
      %dma_start3A_29 = arith.constant 0 : i32
      %dma_start3A_30 = tpu.memref_slice %arg8[%add3A_14, %dma_start3A_29] : memref<10240x128xf32, #tpu.memory_space<vmem_shared>> -> memref<128x128xf32, #tpu.memory_space<vmem_shared>>
      %dma_start3A_31 = arith.constant 0 : i32
      %dma_start3A_32 = tpu.memref_slice %arg8[%add3A_14, %dma_start3A_31] : memref<10240x128xf32, #tpu.memory_space<vmem_shared>> -> memref<128x128xf32, #tpu.memory_space<vmem_shared>>
      %dma_start3A_33 = arith.constant 0 : i32
      %dma_start3A_34 = arith.constant 0 : i32
      %dma_start3A_35 = tpu.memref_slice %arg7[%dma_start3A_33, %dma_start3A_34] : memref<128x128xf32, #tpu.memory_space<vmem>> -> memref<128x128xf32, #tpu.memory_space<vmem>>
      tpu.enqueue_dma source(%dma_start3A_35 : memref<128x128xf32, #tpu.memory_space<vmem>>) target(%dma_start3A_32 : memref<128x128xf32, #tpu.memory_space<vmem_shared>>) target_semaphore(%run_scoped3A : memref<!tpu.dma_semaphore, #tpu.memory_space<semaphore_mem>>)
      %dma_wait3A = arith.constant 0 : i32
      %dma_wait3A_36 = arith.constant 0 : i32
      %dma_wait3A_37 = tpu.memref_slice %arg7[%dma_wait3A, %dma_wait3A_36] : memref<128x128xf32, #tpu.memory_space<vmem>> -> memref<128x128xf32, #tpu.memory_space<vmem>>
      %dma_wait3A_38 = arith.constant 0 : i32
      %dma_wait3A_39 = tpu.memref_slice %arg8[%add3A_14, %dma_wait3A_38] : memref<10240x128xf32, #tpu.memory_space<vmem_shared>> -> memref<128x128xf32, #tpu.memory_space<vmem_shared>>
      %dma_wait3A_40 = arith.constant 0 : i32
      %dma_wait3A_41 = tpu.memref_slice %arg8[%add3A_14, %dma_wait3A_40] : memref<10240x128xf32, #tpu.memory_space<vmem_shared>> -> memref<128x128xf32, #tpu.memory_space<vmem_shared>>
      %dma_wait3A_42 = arith.constant 0 : i32
      %dma_wait3A_43 = arith.constant 0 : i32
      %dma_wait3A_44 = tpu.memref_slice %arg7[%dma_wait3A_42, %dma_wait3A_43] : memref<128x128xf32, #tpu.memory_space<vmem>> -> memref<128x128xf32, #tpu.memory_space<vmem>>
      tpu.wait_dma2 semaphore(%run_scoped3A : memref<!tpu.dma_semaphore, #tpu.memory_space<semaphore_mem>>) src(%dma_wait3A_44 : memref<128x128xf32, #tpu.memory_space<vmem>>) dst(%dma_wait3A_41 : memref<128x128xf32, #tpu.memory_space<vmem_shared>>)
      tpu.yield
    }) : () -> ()
    %add3A_15 = arith.constant 384 : i32
    %add3A_16 = arith.addi %mul3A_8, %add3A_15 : i32
    "tpu.region"() ({
      %run_scoped3A = tpu.sem_alloc : memref<!tpu.dma_semaphore, #tpu.memory_space<semaphore_mem>>
      %dma_start3A = arith.constant 0 : i32
      %dma_start3A_27 = arith.constant 0 : i32
      %dma_start3A_28 = tpu.memref_slice %arg7[%dma_start3A, %dma_start3A_27] : memref<128x128xf32, #tpu.memory_space<vmem>> -> memref<128x128xf32, #tpu.memory_space<vmem>>
      %dma_start3A_29 = arith.constant 0 : i32
      %dma_start3A_30 = tpu.memref_slice %arg8[%add3A_16, %dma_start3A_29] : memref<10240x128xf32, #tpu.memory_space<vmem_shared>> -> memref<128x128xf32, #tpu.memory_space<vmem_shared>>
      %dma_start3A_31 = arith.constant 0 : i32
      %dma_start3A_32 = tpu.memref_slice %arg8[%add3A_16, %dma_start3A_31] : memref<10240x128xf32, #tpu.memory_space<vmem_shared>> -> memref<128x128xf32, #tpu.memory_space<vmem_shared>>
      %dma_start3A_33 = arith.constant 0 : i32
      %dma_start3A_34 = arith.constant 0 : i32
      %dma_start3A_35 = tpu.memref_slice %arg7[%dma_start3A_33, %dma_start3A_34] : memref<128x128xf32, #tpu.memory_space<vmem>> -> memref<128x128xf32, #tpu.memory_space<vmem>>
      tpu.enqueue_dma source(%dma_start3A_35 : memref<128x128xf32, #tpu.memory_space<vmem>>) target(%dma_start3A_32 : memref<128x128xf32, #tpu.memory_space<vmem_shared>>) target_semaphore(%run_scoped3A : memref<!tpu.dma_semaphore, #tpu.memory_space<semaphore_mem>>)
      %dma_wait3A = arith.constant 0 : i32
      %dma_wait3A_36 = arith.constant 0 : i32
      %dma_wait3A_37 = tpu.memref_slice %arg7[%dma_wait3A, %dma_wait3A_36] : memref<128x128xf32, #tpu.memory_space<vmem>> -> memref<128x128xf32, #tpu.memory_space<vmem>>
      %dma_wait3A_38 = arith.constant 0 : i32
      %dma_wait3A_39 = tpu.memref_slice %arg8[%add3A_16, %dma_wait3A_38] : memref<10240x128xf32, #tpu.memory_space<vmem_shared>> -> memref<128x128xf32, #tpu.memory_space<vmem_shared>>
      %dma_wait3A_40 = arith.constant 0 : i32
      %dma_wait3A_41 = tpu.memref_slice %arg8[%add3A_16, %dma_wait3A_40] : memref<10240x128xf32, #tpu.memory_space<vmem_shared>> -> memref<128x128xf32, #tpu.memory_space<vmem_shared>>
      %dma_wait3A_42 = arith.constant 0 : i32
      %dma_wait3A_43 = arith.constant 0 : i32
      %dma_wait3A_44 = tpu.memref_slice %arg7[%dma_wait3A_42, %dma_wait3A_43] : memref<128x128xf32, #tpu.memory_space<vmem>> -> memref<128x128xf32, #tpu.memory_space<vmem>>
      tpu.wait_dma2 semaphore(%run_scoped3A : memref<!tpu.dma_semaphore, #tpu.memory_space<semaphore_mem>>) src(%dma_wait3A_44 : memref<128x128xf32, #tpu.memory_space<vmem>>) dst(%dma_wait3A_41 : memref<128x128xf32, #tpu.memory_space<vmem_shared>>)
      tpu.yield
    }) : () -> ()
    %add3A_17 = arith.constant 512 : i32
    %add3A_18 = arith.addi %mul3A_8, %add3A_17 : i32
    "tpu.region"() ({
      %run_scoped3A = tpu.sem_alloc : memref<!tpu.dma_semaphore, #tpu.memory_space<semaphore_mem>>
      %dma_start3A = arith.constant 0 : i32
      %dma_start3A_27 = arith.constant 0 : i32
      %dma_start3A_28 = tpu.memref_slice %arg7[%dma_start3A, %dma_start3A_27] : memref<128x128xf32, #tpu.memory_space<vmem>> -> memref<128x128xf32, #tpu.memory_space<vmem>>
      %dma_start3A_29 = arith.constant 0 : i32
      %dma_start3A_30 = tpu.memref_slice %arg8[%add3A_18, %dma_start3A_29] : memref<10240x128xf32, #tpu.memory_space<vmem_shared>> -> memref<128x128xf32, #tpu.memory_space<vmem_shared>>
      %dma_start3A_31 = arith.constant 0 : i32
      %dma_start3A_32 = tpu.memref_slice %arg8[%add3A_18, %dma_start3A_31] : memref<10240x128xf32, #tpu.memory_space<vmem_shared>> -> memref<128x128xf32, #tpu.memory_space<vmem_shared>>
      %dma_start3A_33 = arith.constant 0 : i32
      %dma_start3A_34 = arith.constant 0 : i32
      %dma_start3A_35 = tpu.memref_slice %arg7[%dma_start3A_33, %dma_start3A_34] : memref<128x128xf32, #tpu.memory_space<vmem>> -> memref<128x128xf32, #tpu.memory_space<vmem>>
      tpu.enqueue_dma source(%dma_start3A_35 : memref<128x128xf32, #tpu.memory_space<vmem>>) target(%dma_start3A_32 : memref<128x128xf32, #tpu.memory_space<vmem_shared>>) target_semaphore(%run_scoped3A : memref<!tpu.dma_semaphore, #tpu.memory_space<semaphore_mem>>)
      %dma_wait3A = arith.constant 0 : i32
      %dma_wait3A_36 = arith.constant 0 : i32
      %dma_wait3A_37 = tpu.memref_slice %arg7[%dma_wait3A, %dma_wait3A_36] : memref<128x128xf32, #tpu.memory_space<vmem>> -> memref<128x128xf32, #tpu.memory_space<vmem>>
      %dma_wait3A_38 = arith.constant 0 : i32
      %dma_wait3A_39 = tpu.memref_slice %arg8[%add3A_18, %dma_wait3A_38] : memref<10240x128xf32, #tpu.memory_space<vmem_shared>> -> memref<128x128xf32, #tpu.memory_space<vmem_shared>>
      %dma_wait3A_40 = arith.constant 0 : i32
      %dma_wait3A_41 = tpu.memref_slice %arg8[%add3A_18, %dma_wait3A_40] : memref<10240x128xf32, #tpu.memory_space<vmem_shared>> -> memref<128x128xf32, #tpu.memory_space<vmem_shared>>
      %dma_wait3A_42 = arith.constant 0 : i32
      %dma_wait3A_43 = arith.constant 0 : i32
      %dma_wait3A_44 = tpu.memref_slice %arg7[%dma_wait3A_42, %dma_wait3A_43] : memref<128x128xf32, #tpu.memory_space<vmem>> -> memref<128x128xf32, #tpu.memory_space<vmem>>
      tpu.wait_dma2 semaphore(%run_scoped3A : memref<!tpu.dma_semaphore, #tpu.memory_space<semaphore_mem>>) src(%dma_wait3A_44 : memref<128x128xf32, #tpu.memory_space<vmem>>) dst(%dma_wait3A_41 : memref<128x128xf32, #tpu.memory_space<vmem_shared>>)
      tpu.yield
    }) : () -> ()
    %barrier3A = arith.constant 0 : index
    tpu.barrier barrier_id(%barrier3A)
    "tpu.region"() ({
      %run_scoped3A = tpu.sem_alloc : memref<!tpu.dma_semaphore, #tpu.memory_space<semaphore_mem>>
      %dma_start3A = arith.constant 0 : i32
      %dma_start3A_27 = arith.constant 0 : i32
      %dma_start3A_28 = arith.constant 0 : i32
      %dma_start3A_29 = tpu.memref_slice %arg4[%add3A, %dma_start3A, %dma_start3A_27, %dma_start3A_28] : memref<32x2x95x128xi32, #tpu.memory_space<hbm>> -> memref<1x2x95x128xi32, #tpu.memory_space<hbm>>
      %dma_start3A_30 = tpu.memref_squeeze %dma_start3A_29 : memref<1x2x95x128xi32, #tpu.memory_space<hbm>> -> memref<2x95x128xi32, #tpu.memory_space<hbm>>
      %dma_start3A_31 = arith.constant 0 : i32
      %dma_start3A_32 = arith.constant 0 : i32
      %dma_start3A_33 = arith.constant 0 : i32
      %dma_start3A_34 = tpu.memref_slice %arg4[%add3A, %dma_start3A_31, %dma_start3A_32, %dma_start3A_33] : memref<32x2x95x128xi32, #tpu.memory_space<hbm>> -> memref<1x2x95x128xi32, #tpu.memory_space<hbm>>
      %dma_start3A_35 = tpu.memref_squeeze %dma_start3A_34 : memref<1x2x95x128xi32, #tpu.memory_space<hbm>> -> memref<2x95x128xi32, #tpu.memory_space<hbm>>
      tpu.enqueue_dma source(%dma_start3A_35 : memref<2x95x128xi32, #tpu.memory_space<hbm>>) target(%arg6 : memref<2x95x128xi32, #tpu.memory_space<vmem>>) target_semaphore(%run_scoped3A : memref<!tpu.dma_semaphore, #tpu.memory_space<semaphore_mem>>)
      %dma_wait3A = arith.constant 0 : i32
      %dma_wait3A_36 = arith.constant 0 : i32
      %dma_wait3A_37 = arith.constant 0 : i32
      %dma_wait3A_38 = tpu.memref_slice %arg4[%add3A, %dma_wait3A, %dma_wait3A_36, %dma_wait3A_37] : memref<32x2x95x128xi32, #tpu.memory_space<hbm>> -> memref<1x2x95x128xi32, #tpu.memory_space<hbm>>
      %dma_wait3A_39 = tpu.memref_squeeze %dma_wait3A_38 : memref<1x2x95x128xi32, #tpu.memory_space<hbm>> -> memref<2x95x128xi32, #tpu.memory_space<hbm>>
      %dma_wait3A_40 = arith.constant 0 : i32
      %dma_wait3A_41 = arith.constant 0 : i32
      %dma_wait3A_42 = arith.constant 0 : i32
      %dma_wait3A_43 = tpu.memref_slice %arg4[%add3A, %dma_wait3A_40, %dma_wait3A_41, %dma_wait3A_42] : memref<32x2x95x128xi32, #tpu.memory_space<hbm>> -> memref<1x2x95x128xi32, #tpu.memory_space<hbm>>
      %dma_wait3A_44 = tpu.memref_squeeze %dma_wait3A_43 : memref<1x2x95x128xi32, #tpu.memory_space<hbm>> -> memref<2x95x128xi32, #tpu.memory_space<hbm>>
      tpu.wait_dma2 semaphore(%run_scoped3A : memref<!tpu.dma_semaphore, #tpu.memory_space<semaphore_mem>>) src(%dma_wait3A_44 : memref<2x95x128xi32, #tpu.memory_space<hbm>>) dst(%arg6 : memref<2x95x128xi32, #tpu.memory_space<vmem>>)
      tpu.yield
    }) : () -> ()
    %eq3A = arith.constant 0 : i32
    %eq3A_19 = arith.cmpi eq, %arg0, %eq3A : i32
    %convert_element_type3A = arith.extui %eq3A_19 : i1 to i32
    %cond3A = arith.constant 0 : i32
    %cond3A_20 = arith.cmpi ne, %convert_element_type3A, %cond3A : i32
    scf.if %cond3A_20 {
      %scan3A_27 = arith.constant 0 : i32
      %scan3A_28 = arith.constant 0 : i32
      %scan3A_29 = arith.constant 95 : i32
      %scan3A_30 = arith.addi %scan3A_28, %scan3A_29 : i32
      %scan3A_31 = arith.constant 1 : i32
      scf.for %scan3A_33 = %scan3A_28 to %scan3A_30 step %scan3A_31  : i32 {
        %dma_start3A = arith.constant 0 : i32
        %dma_start3A_34 = arith.constant 0 : i32
        %dma_start3A_35 = tpu.memref_slice %arg6[%dma_start3A, %scan3A_33, %dma_start3A_34] : memref<2x95x128xi32, #tpu.memory_space<vmem>> -> memref<1x1x128xi32, #tpu.memory_space<vmem>>
        %dma_start3A_36 = tpu.memref_squeeze %dma_start3A_35 : memref<1x1x128xi32, #tpu.memory_space<vmem>> -> memref<128xi32, #tpu.memory_space<vmem>>
        %dma_start3A_37 = arith.constant 0 : i32
        %dma_start3A_38 = arith.constant 0 : i32
        %dma_start3A_39 = tpu.memref_slice %arg2[%dma_start3A_37, %dma_start3A_38] : memref<10240x128xf32, #tpu.memory_space<hbm>> -> memref<10240x128xf32, #tpu.memory_space<hbm>>
        tpu.enqueue_indirect_dma source(%dma_start3A_39 : memref<10240x128xf32, #tpu.memory_space<hbm>>) target(%arg7 : memref<128x128xf32, #tpu.memory_space<vmem>>) offsets(%dma_start3A_36 : memref<128xi32, #tpu.memory_space<vmem>>) semaphore(%arg9 : memref<!tpu.dma_semaphore, #tpu.memory_space<semaphore_mem>>)
        %dma_wait3A = arith.constant 0 : i32
        %dma_wait3A_40 = arith.constant 0 : i32
        %dma_wait3A_41 = tpu.memref_slice %arg6[%dma_wait3A, %scan3A_33, %dma_wait3A_40] : memref<2x95x128xi32, #tpu.memory_space<vmem>> -> memref<1x1x128xi32, #tpu.memory_space<vmem>>
        %dma_wait3A_42 = tpu.memref_squeeze %dma_wait3A_41 : memref<1x1x128xi32, #tpu.memory_space<vmem>> -> memref<128xi32, #tpu.memory_space<vmem>>
        %dma_wait3A_43 = arith.constant 0 : i32
        %dma_wait3A_44 = arith.constant 0 : i32
        %dma_wait3A_45 = tpu.memref_slice %arg2[%dma_wait3A_43, %dma_wait3A_44] : memref<10240x128xf32, #tpu.memory_space<hbm>> -> memref<10240x128xf32, #tpu.memory_space<hbm>>
        tpu.wait_indirect_dma semaphore(%arg9 : memref<!tpu.dma_semaphore, #tpu.memory_space<semaphore_mem>>) src(%dma_wait3A_45 : memref<10240x128xf32, #tpu.memory_space<hbm>>) dst(%arg7 : memref<128x128xf32, #tpu.memory_space<vmem>>)
        %run_scoped3A = arith.constant 1 : i32
        "tpu.region"() ({
          %run_scoped3A_46 = tpu.sem_alloc : memref<!tpu.dma_semaphore, #tpu.memory_space<semaphore_mem>>
          %dma_start3A_47 = arith.constant 0 : i32
          %dma_start3A_48 = tpu.memref_slice %arg6[%run_scoped3A, %scan3A_33, %dma_start3A_47] : memref<2x95x128xi32, #tpu.memory_space<vmem>> -> memref<1x1x128xi32, #tpu.memory_space<vmem>>
          %dma_start3A_49 = tpu.memref_squeeze %dma_start3A_48 : memref<1x1x128xi32, #tpu.memory_space<vmem>> -> memref<128xi32, #tpu.memory_space<vmem>>
          %dma_start3A_50 = arith.constant 0 : i32
          %dma_start3A_51 = arith.constant 0 : i32
          %dma_start3A_52 = tpu.memref_slice %arg8[%dma_start3A_50, %dma_start3A_51] : memref<10240x128xf32, #tpu.memory_space<vmem_shared>> -> memref<10240x128xf32, #tpu.memory_space<vmem_shared>>
          tpu.enqueue_indirect_dma source(%arg7 : memref<128x128xf32, #tpu.memory_space<vmem>>) target(%dma_start3A_52 : memref<10240x128xf32, #tpu.memory_space<vmem_shared>>) offsets(%dma_start3A_49 : memref<128xi32, #tpu.memory_space<vmem>>) semaphore(%run_scoped3A_46 : memref<!tpu.dma_semaphore, #tpu.memory_space<semaphore_mem>>) {add = true}
          %dma_wait3A_53 = arith.constant 0 : i32
          %dma_wait3A_54 = tpu.memref_slice %arg6[%run_scoped3A, %scan3A_33, %dma_wait3A_53] : memref<2x95x128xi32, #tpu.memory_space<vmem>> -> memref<1x1x128xi32, #tpu.memory_space<vmem>>
          %dma_wait3A_55 = tpu.memref_squeeze %dma_wait3A_54 : memref<1x1x128xi32, #tpu.memory_space<vmem>> -> memref<128xi32, #tpu.memory_space<vmem>>
          %dma_wait3A_56 = arith.constant 0 : i32
          %dma_wait3A_57 = arith.constant 0 : i32
          %dma_wait3A_58 = tpu.memref_slice %arg8[%dma_wait3A_56, %dma_wait3A_57] : memref<10240x128xf32, #tpu.memory_space<vmem_shared>> -> memref<10240x128xf32, #tpu.memory_space<vmem_shared>>
          tpu.wait_indirect_dma semaphore(%run_scoped3A_46 : memref<!tpu.dma_semaphore, #tpu.memory_space<semaphore_mem>>) src(%arg7 : memref<128x128xf32, #tpu.memory_space<vmem>>) dst(%dma_wait3A_58 : memref<10240x128xf32, #tpu.memory_space<vmem_shared>>)
          tpu.yield
        }) : () -> ()
      }
      %scan3A_32 = arith.constant 95 : i32
    } else {
    }
    %eq3A_21 = arith.constant 1 : i32
    %eq3A_22 = arith.cmpi eq, %arg0, %eq3A_21 : i32
    %convert_element_type3A_23 = arith.extui %eq3A_22 : i1 to i32
    %cond3A_24 = arith.constant 0 : i32
    %cond3A_25 = arith.cmpi ne, %convert_element_type3A_23, %cond3A_24 : i32
    scf.if %cond3A_25 {
      %scan3A_27 = arith.constant 0 : i32
      %scan3A_28 = arith.constant 0 : i32
      %scan3A_29 = arith.constant 62 : i32
      %scan3A_30 = arith.addi %scan3A_28, %scan3A_29 : i32
      %scan3A_31 = arith.constant 1 : i32
      scf.for %scan3A_33 = %scan3A_28 to %scan3A_30 step %scan3A_31  : i32 {
        %dma_start3A = arith.constant 0 : i32
        %dma_start3A_34 = arith.constant 0 : i32
        %dma_start3A_35 = tpu.memref_slice %arg6[%dma_start3A, %scan3A_33, %dma_start3A_34] : memref<2x95x128xi32, #tpu.memory_space<vmem>> -> memref<1x1x128xi32, #tpu.memory_space<vmem>>
        %dma_start3A_36 = tpu.memref_squeeze %dma_start3A_35 : memref<1x1x128xi32, #tpu.memory_space<vmem>> -> memref<128xi32, #tpu.memory_space<vmem>>
        %dma_start3A_37 = arith.constant 0 : i32
        %dma_start3A_38 = arith.constant 0 : i32
        %dma_start3A_39 = tpu.memref_slice %arg3[%dma_start3A_37, %dma_start3A_38] : memref<10240x128xf32, #tpu.memory_space<hbm>> -> memref<10240x128xf32, #tpu.memory_space<hbm>>
        tpu.enqueue_indirect_dma source(%dma_start3A_39 : memref<10240x128xf32, #tpu.memory_space<hbm>>) target(%arg7 : memref<128x128xf32, #tpu.memory_space<vmem>>) offsets(%dma_start3A_36 : memref<128xi32, #tpu.memory_space<vmem>>) semaphore(%arg9 : memref<!tpu.dma_semaphore, #tpu.memory_space<semaphore_mem>>)
        %dma_wait3A = arith.constant 0 : i32
        %dma_wait3A_40 = arith.constant 0 : i32
        %dma_wait3A_41 = tpu.memref_slice %arg6[%dma_wait3A, %scan3A_33, %dma_wait3A_40] : memref<2x95x128xi32, #tpu.memory_space<vmem>> -> memref<1x1x128xi32, #tpu.memory_space<vmem>>
        %dma_wait3A_42 = tpu.memref_squeeze %dma_wait3A_41 : memref<1x1x128xi32, #tpu.memory_space<vmem>> -> memref<128xi32, #tpu.memory_space<vmem>>
        %dma_wait3A_43 = arith.constant 0 : i32
        %dma_wait3A_44 = arith.constant 0 : i32
        %dma_wait3A_45 = tpu.memref_slice %arg3[%dma_wait3A_43, %dma_wait3A_44] : memref<10240x128xf32, #tpu.memory_space<hbm>> -> memref<10240x128xf32, #tpu.memory_space<hbm>>
        tpu.wait_indirect_dma semaphore(%arg9 : memref<!tpu.dma_semaphore, #tpu.memory_space<semaphore_mem>>) src(%dma_wait3A_45 : memref<10240x128xf32, #tpu.memory_space<hbm>>) dst(%arg7 : memref<128x128xf32, #tpu.memory_space<vmem>>)
        %run_scoped3A = arith.constant 1 : i32
        "tpu.region"() ({
          %run_scoped3A_46 = tpu.sem_alloc : memref<!tpu.dma_semaphore, #tpu.memory_space<semaphore_mem>>
          %dma_start3A_47 = arith.constant 0 : i32
          %dma_start3A_48 = tpu.memref_slice %arg6[%run_scoped3A, %scan3A_33, %dma_start3A_47] : memref<2x95x128xi32, #tpu.memory_space<vmem>> -> memref<1x1x128xi32, #tpu.memory_space<vmem>>
          %dma_start3A_49 = tpu.memref_squeeze %dma_start3A_48 : memref<1x1x128xi32, #tpu.memory_space<vmem>> -> memref<128xi32, #tpu.memory_space<vmem>>
          %dma_start3A_50 = arith.constant 0 : i32
          %dma_start3A_51 = arith.constant 0 : i32
          %dma_start3A_52 = tpu.memref_slice %arg8[%dma_start3A_50, %dma_start3A_51] : memref<10240x128xf32, #tpu.memory_space<vmem_shared>> -> memref<10240x128xf32, #tpu.memory_space<vmem_shared>>
          tpu.enqueue_indirect_dma source(%arg7 : memref<128x128xf32, #tpu.memory_space<vmem>>) target(%dma_start3A_52 : memref<10240x128xf32, #tpu.memory_space<vmem_shared>>) offsets(%dma_start3A_49 : memref<128xi32, #tpu.memory_space<vmem>>) semaphore(%run_scoped3A_46 : memref<!tpu.dma_semaphore, #tpu.memory_space<semaphore_mem>>) {add = true}
          %dma_wait3A_53 = arith.constant 0 : i32
          %dma_wait3A_54 = tpu.memref_slice %arg6[%run_scoped3A, %scan3A_33, %dma_wait3A_53] : memref<2x95x128xi32, #tpu.memory_space<vmem>> -> memref<1x1x128xi32, #tpu.memory_space<vmem>>
          %dma_wait3A_55 = tpu.memref_squeeze %dma_wait3A_54 : memref<1x1x128xi32, #tpu.memory_space<vmem>> -> memref<128xi32, #tpu.memory_space<vmem>>
          %dma_wait3A_56 = arith.constant 0 : i32
          %dma_wait3A_57 = arith.constant 0 : i32
          %dma_wait3A_58 = tpu.memref_slice %arg8[%dma_wait3A_56, %dma_wait3A_57] : memref<10240x128xf32, #tpu.memory_space<vmem_shared>> -> memref<10240x128xf32, #tpu.memory_space<vmem_shared>>
          tpu.wait_indirect_dma semaphore(%run_scoped3A_46 : memref<!tpu.dma_semaphore, #tpu.memory_space<semaphore_mem>>) src(%arg7 : memref<128x128xf32, #tpu.memory_space<vmem>>) dst(%dma_wait3A_58 : memref<10240x128xf32, #tpu.memory_space<vmem_shared>>)
          tpu.yield
        }) : () -> ()
      }
      %scan3A_32 = arith.constant 62 : i32
    } else {
    }
    %barrier3A_26 = arith.constant 0 : index
    tpu.barrier barrier_id(%barrier3A_26)
    "tpu.region"() ({
      %run_scoped3A = tpu.sem_alloc : memref<!tpu.dma_semaphore, #tpu.memory_space<semaphore_mem>>
      %dma_start3A = arith.constant 0 : i32
      %dma_start3A_27 = tpu.memref_slice %arg5[%arg0, %mul3A_8, %dma_start3A] : memref<2x10240x128xf32, #tpu.memory_space<hbm>> -> memref<1x640x128xf32, #tpu.memory_space<hbm>>
      %dma_start3A_28 = tpu.memref_squeeze %dma_start3A_27 : memref<1x640x128xf32, #tpu.memory_space<hbm>> -> memref<640x128xf32, #tpu.memory_space<hbm>>
      %dma_start3A_29 = arith.constant 0 : i32
      %dma_start3A_30 = tpu.memref_slice %arg8[%mul3A_8, %dma_start3A_29] : memref<10240x128xf32, #tpu.memory_space<vmem_shared>> -> memref<640x128xf32, #tpu.memory_space<vmem_shared>>
      tpu.enqueue_dma source(%dma_start3A_30 : memref<640x128xf32, #tpu.memory_space<vmem_shared>>) target(%dma_start3A_28 : memref<640x128xf32, #tpu.memory_space<hbm>>) target_semaphore(%run_scoped3A : memref<!tpu.dma_semaphore, #tpu.memory_space<semaphore_mem>>)
      %dma_wait3A = arith.constant 0 : i32
      %dma_wait3A_31 = tpu.memref_slice %arg5[%arg0, %mul3A_8, %dma_wait3A] : memref<2x10240x128xf32, #tpu.memory_space<hbm>> -> memref<1x640x128xf32, #tpu.memory_space<hbm>>
      %dma_wait3A_32 = tpu.memref_squeeze %dma_wait3A_31 : memref<1x640x128xf32, #tpu.memory_space<hbm>> -> memref<640x128xf32, #tpu.memory_space<hbm>>
      %dma_wait3A_33 = arith.constant 0 : i32
      %dma_wait3A_34 = tpu.memref_slice %arg8[%mul3A_8, %dma_wait3A_33] : memref<10240x128xf32, #tpu.memory_space<vmem_shared>> -> memref<640x128xf32, #tpu.memory_space<vmem_shared>>
      tpu.wait_dma2 semaphore(%run_scoped3A : memref<!tpu.dma_semaphore, #tpu.memory_space<semaphore_mem>>) src(%dma_wait3A_34 : memref<640x128xf32, #tpu.memory_space<vmem_shared>>) dst(%dma_wait3A_32 : memref<640x128xf32, #tpu.memory_space<hbm>>)
      tpu.yield
    }) : () -> ()
    return
  }
}

#map = affine_map<(d0, d1) -> (0, 0, 0)>
#map1 = affine_map<(d0, d1) -> (0, 0)>
module attributes {stable_mosaic.version = 14 : i64} {
  func.func @deg_kernel(%arg0: i32, %arg1: i32, %arg2: memref<16x157x128xi32, #tpu.memory_space<hbm>>, %arg3: memref<16x157x128xi32, #tpu.memory_space<hbm>>, %arg4: memref<2x10240xf32, #tpu.memory_space<hbm>>, %arg5: memref<157x128xi32, #tpu.memory_space<vmem>>, %arg6: memref<128xf32, #tpu.memory_space<vmem>>, %arg7: memref<640xf32, #tpu.memory_space<vmem>>, %arg8: memref<10240xf32, #tpu.memory_space<vmem_shared>>) attributes {dimension_semantics = [#tpu.dimension_semantics<core_parallel>, #tpu.dimension_semantics<subcore_parallel>], iteration_bounds = array<i64: 2, 16>, scalar_prefetch = 0 : i64, scratch_operands = 4 : i64, tpu.core_type = #tpu.core_type<sc_vector_subcore>, window_params = [{transform_indices = #map}, {transform_indices = #map}, {transform_indices = #map1}]} {
    %eq3A = arith.constant 0 : i32
    %eq3A_0 = arith.cmpi eq, %arg0, %eq3A : i32
    %convert_element_type3A = arith.extui %eq3A_0 : i1 to i32
    %cond3A = arith.constant 0 : i32
    %cond3A_1 = arith.cmpi ne, %convert_element_type3A, %cond3A : i32
    scf.if %cond3A_1 {
      "tpu.region"() ({
        %run_scoped3A = tpu.sem_alloc : memref<!tpu.dma_semaphore, #tpu.memory_space<semaphore_mem>>
        %dma_start3A = arith.constant 0 : i32
        %dma_start3A_57 = arith.constant 0 : i32
        %dma_start3A_58 = tpu.memref_slice %arg2[%arg1, %dma_start3A, %dma_start3A_57] : memref<16x157x128xi32, #tpu.memory_space<hbm>> -> memref<1x157x128xi32, #tpu.memory_space<hbm>>
        %dma_start3A_59 = tpu.memref_squeeze %dma_start3A_58 : memref<1x157x128xi32, #tpu.memory_space<hbm>> -> memref<157x128xi32, #tpu.memory_space<hbm>>
        %dma_start3A_60 = arith.constant 0 : i32
        %dma_start3A_61 = arith.constant 0 : i32
        %dma_start3A_62 = tpu.memref_slice %arg2[%arg1, %dma_start3A_60, %dma_start3A_61] : memref<16x157x128xi32, #tpu.memory_space<hbm>> -> memref<1x157x128xi32, #tpu.memory_space<hbm>>
        %dma_start3A_63 = tpu.memref_squeeze %dma_start3A_62 : memref<1x157x128xi32, #tpu.memory_space<hbm>> -> memref<157x128xi32, #tpu.memory_space<hbm>>
        tpu.enqueue_dma source(%dma_start3A_63 : memref<157x128xi32, #tpu.memory_space<hbm>>) target(%arg5 : memref<157x128xi32, #tpu.memory_space<vmem>>) target_semaphore(%run_scoped3A : memref<!tpu.dma_semaphore, #tpu.memory_space<semaphore_mem>>)
        %dma_wait3A = arith.constant 0 : i32
        %dma_wait3A_64 = arith.constant 0 : i32
        %dma_wait3A_65 = tpu.memref_slice %arg2[%arg1, %dma_wait3A, %dma_wait3A_64] : memref<16x157x128xi32, #tpu.memory_space<hbm>> -> memref<1x157x128xi32, #tpu.memory_space<hbm>>
        %dma_wait3A_66 = tpu.memref_squeeze %dma_wait3A_65 : memref<1x157x128xi32, #tpu.memory_space<hbm>> -> memref<157x128xi32, #tpu.memory_space<hbm>>
        %dma_wait3A_67 = arith.constant 0 : i32
        %dma_wait3A_68 = arith.constant 0 : i32
        %dma_wait3A_69 = tpu.memref_slice %arg2[%arg1, %dma_wait3A_67, %dma_wait3A_68] : memref<16x157x128xi32, #tpu.memory_space<hbm>> -> memref<1x157x128xi32, #tpu.memory_space<hbm>>
        %dma_wait3A_70 = tpu.memref_squeeze %dma_wait3A_69 : memref<1x157x128xi32, #tpu.memory_space<hbm>> -> memref<157x128xi32, #tpu.memory_space<hbm>>
        tpu.wait_dma2 semaphore(%run_scoped3A : memref<!tpu.dma_semaphore, #tpu.memory_space<semaphore_mem>>) src(%dma_wait3A_70 : memref<157x128xi32, #tpu.memory_space<hbm>>) dst(%arg5 : memref<157x128xi32, #tpu.memory_space<vmem>>)
        tpu.yield
      }) : () -> ()
    } else {
    }
    %ne3A = arith.constant 0 : i32
    %ne3A_2 = arith.cmpi ne, %arg0, %ne3A : i32
    %convert_element_type3A_3 = arith.extui %ne3A_2 : i1 to i32
    %cond3A_4 = arith.constant 0 : i32
    %cond3A_5 = arith.cmpi ne, %convert_element_type3A_3, %cond3A_4 : i32
    scf.if %cond3A_5 {
      "tpu.region"() ({
        %run_scoped3A = tpu.sem_alloc : memref<!tpu.dma_semaphore, #tpu.memory_space<semaphore_mem>>
        %dma_start3A = arith.constant 0 : i32
        %dma_start3A_57 = arith.constant 0 : i32
        %dma_start3A_58 = tpu.memref_slice %arg3[%arg1, %dma_start3A, %dma_start3A_57] : memref<16x157x128xi32, #tpu.memory_space<hbm>> -> memref<1x157x128xi32, #tpu.memory_space<hbm>>
        %dma_start3A_59 = tpu.memref_squeeze %dma_start3A_58 : memref<1x157x128xi32, #tpu.memory_space<hbm>> -> memref<157x128xi32, #tpu.memory_space<hbm>>
        %dma_start3A_60 = arith.constant 0 : i32
        %dma_start3A_61 = arith.constant 0 : i32
        %dma_start3A_62 = tpu.memref_slice %arg3[%arg1, %dma_start3A_60, %dma_start3A_61] : memref<16x157x128xi32, #tpu.memory_space<hbm>> -> memref<1x157x128xi32, #tpu.memory_space<hbm>>
        %dma_start3A_63 = tpu.memref_squeeze %dma_start3A_62 : memref<1x157x128xi32, #tpu.memory_space<hbm>> -> memref<157x128xi32, #tpu.memory_space<hbm>>
        tpu.enqueue_dma source(%dma_start3A_63 : memref<157x128xi32, #tpu.memory_space<hbm>>) target(%arg5 : memref<157x128xi32, #tpu.memory_space<vmem>>) target_semaphore(%run_scoped3A : memref<!tpu.dma_semaphore, #tpu.memory_space<semaphore_mem>>)
        %dma_wait3A = arith.constant 0 : i32
        %dma_wait3A_64 = arith.constant 0 : i32
        %dma_wait3A_65 = tpu.memref_slice %arg3[%arg1, %dma_wait3A, %dma_wait3A_64] : memref<16x157x128xi32, #tpu.memory_space<hbm>> -> memref<1x157x128xi32, #tpu.memory_space<hbm>>
        %dma_wait3A_66 = tpu.memref_squeeze %dma_wait3A_65 : memref<1x157x128xi32, #tpu.memory_space<hbm>> -> memref<157x128xi32, #tpu.memory_space<hbm>>
        %dma_wait3A_67 = arith.constant 0 : i32
        %dma_wait3A_68 = arith.constant 0 : i32
        %dma_wait3A_69 = tpu.memref_slice %arg3[%arg1, %dma_wait3A_67, %dma_wait3A_68] : memref<16x157x128xi32, #tpu.memory_space<hbm>> -> memref<1x157x128xi32, #tpu.memory_space<hbm>>
        %dma_wait3A_70 = tpu.memref_squeeze %dma_wait3A_69 : memref<1x157x128xi32, #tpu.memory_space<hbm>> -> memref<157x128xi32, #tpu.memory_space<hbm>>
        tpu.wait_dma2 semaphore(%run_scoped3A : memref<!tpu.dma_semaphore, #tpu.memory_space<semaphore_mem>>) src(%dma_wait3A_70 : memref<157x128xi32, #tpu.memory_space<hbm>>) dst(%arg5 : memref<157x128xi32, #tpu.memory_space<vmem>>)
        tpu.yield
      }) : () -> ()
    } else {
    }
    %broadcast_in_dim3A = arith.constant 0.000000e+00 : f32
    %broadcast_in_dim3A_6 = vector.broadcast %broadcast_in_dim3A : f32 to vector<16xf32>
    %broadcast_in_dim3A_7 = arith.constant 1.000000e+00 : f32
    %broadcast_in_dim3A_8 = vector.broadcast %broadcast_in_dim3A_7 : f32 to vector<16xf32>
    %swap3A = arith.constant 0 : index
    %swap3A_9 = tpu.vector_load %arg6[%swap3A] {strides = array<i32>} : memref<128xf32, #tpu.memory_space<vmem>>, vector<16xf32>,
    %swap3A_10 = vector.shape_cast %swap3A_9 : vector<16xf32> to vector<16xf32>
    %swap3A_11 = vector.shape_cast %broadcast_in_dim3A_8 : vector<16xf32> to vector<16xf32>
    tpu.vector_store %arg6[%swap3A], %swap3A_11 {strides = array<i32>} : memref<128xf32, #tpu.memory_space<vmem>>, vector<16xf32>,
    %swap3A_12 = arith.constant 16 : index
    %swap3A_13 = tpu.vector_load %arg6[%swap3A_12] {strides = array<i32>} : memref<128xf32, #tpu.memory_space<vmem>>, vector<16xf32>,
    %swap3A_14 = vector.shape_cast %swap3A_13 : vector<16xf32> to vector<16xf32>
    %swap3A_15 = vector.shape_cast %broadcast_in_dim3A_8 : vector<16xf32> to vector<16xf32>
    tpu.vector_store %arg6[%swap3A_12], %swap3A_15 {strides = array<i32>} : memref<128xf32, #tpu.memory_space<vmem>>, vector<16xf32>,
    %swap3A_16 = arith.constant 32 : index
    %swap3A_17 = tpu.vector_load %arg6[%swap3A_16] {strides = array<i32>} : memref<128xf32, #tpu.memory_space<vmem>>, vector<16xf32>,
    %swap3A_18 = vector.shape_cast %swap3A_17 : vector<16xf32> to vector<16xf32>
    %swap3A_19 = vector.shape_cast %broadcast_in_dim3A_8 : vector<16xf32> to vector<16xf32>
    tpu.vector_store %arg6[%swap3A_16], %swap3A_19 {strides = array<i32>} : memref<128xf32, #tpu.memory_space<vmem>>, vector<16xf32>,
    %swap3A_20 = arith.constant 48 : index
    %swap3A_21 = tpu.vector_load %arg6[%swap3A_20] {strides = array<i32>} : memref<128xf32, #tpu.memory_space<vmem>>, vector<16xf32>,
    %swap3A_22 = vector.shape_cast %swap3A_21 : vector<16xf32> to vector<16xf32>
    %swap3A_23 = vector.shape_cast %broadcast_in_dim3A_8 : vector<16xf32> to vector<16xf32>
    tpu.vector_store %arg6[%swap3A_20], %swap3A_23 {strides = array<i32>} : memref<128xf32, #tpu.memory_space<vmem>>, vector<16xf32>,
    %swap3A_24 = arith.constant 64 : index
    %swap3A_25 = tpu.vector_load %arg6[%swap3A_24] {strides = array<i32>} : memref<128xf32, #tpu.memory_space<vmem>>, vector<16xf32>,
    %swap3A_26 = vector.shape_cast %swap3A_25 : vector<16xf32> to vector<16xf32>
    %swap3A_27 = vector.shape_cast %broadcast_in_dim3A_8 : vector<16xf32> to vector<16xf32>
    tpu.vector_store %arg6[%swap3A_24], %swap3A_27 {strides = array<i32>} : memref<128xf32, #tpu.memory_space<vmem>>, vector<16xf32>,
    %swap3A_28 = arith.constant 80 : index
    %swap3A_29 = tpu.vector_load %arg6[%swap3A_28] {strides = array<i32>} : memref<128xf32, #tpu.memory_space<vmem>>, vector<16xf32>,
    %swap3A_30 = vector.shape_cast %swap3A_29 : vector<16xf32> to vector<16xf32>
    %swap3A_31 = vector.shape_cast %broadcast_in_dim3A_8 : vector<16xf32> to vector<16xf32>
    tpu.vector_store %arg6[%swap3A_28], %swap3A_31 {strides = array<i32>} : memref<128xf32, #tpu.memory_space<vmem>>, vector<16xf32>,
    %swap3A_32 = arith.constant 96 : index
    %swap3A_33 = tpu.vector_load %arg6[%swap3A_32] {strides = array<i32>} : memref<128xf32, #tpu.memory_space<vmem>>, vector<16xf32>,
    %swap3A_34 = vector.shape_cast %swap3A_33 : vector<16xf32> to vector<16xf32>
    %swap3A_35 = vector.shape_cast %broadcast_in_dim3A_8 : vector<16xf32> to vector<16xf32>
    tpu.vector_store %arg6[%swap3A_32], %swap3A_35 {strides = array<i32>} : memref<128xf32, #tpu.memory_space<vmem>>, vector<16xf32>,
    %swap3A_36 = arith.constant 112 : index
    %swap3A_37 = tpu.vector_load %arg6[%swap3A_36] {strides = array<i32>} : memref<128xf32, #tpu.memory_space<vmem>>, vector<16xf32>,
    %swap3A_38 = vector.shape_cast %swap3A_37 : vector<16xf32> to vector<16xf32>
    %swap3A_39 = vector.shape_cast %broadcast_in_dim3A_8 : vector<16xf32> to vector<16xf32>
    tpu.vector_store %arg6[%swap3A_36], %swap3A_39 {strides = array<i32>} : memref<128xf32, #tpu.memory_space<vmem>>, vector<16xf32>,
    %scan3A = arith.constant 0 : i32
    %scan3A_40 = arith.constant 0 : i32
    %scan3A_41 = arith.constant 40 : i32
    %scan3A_42 = arith.addi %scan3A_40, %scan3A_41 : i32
    %scan3A_43 = arith.constant 1 : i32
    scf.for %scan3A_57 = %scan3A_40 to %scan3A_42 step %scan3A_43  : i32 {
      %mul3A_58 = arith.constant 16 : i32
      %mul3A_59 = arith.muli %scan3A_57, %mul3A_58 : i32
      %swap3A_60 = arith.index_cast %mul3A_59 : i32 to index
      %swap3A_61 = tpu.vector_load %arg7[%swap3A_60] {strides = array<i32>} : memref<640xf32, #tpu.memory_space<vmem>>, vector<16xf32>,
      %swap3A_62 = vector.shape_cast %swap3A_61 : vector<16xf32> to vector<16xf32>
      %swap3A_63 = vector.shape_cast %broadcast_in_dim3A_6 : vector<16xf32> to vector<16xf32>
      tpu.vector_store %arg7[%swap3A_60], %swap3A_63 {strides = array<i32>} : memref<640xf32, #tpu.memory_space<vmem>>, vector<16xf32>,
    }
    %scan3A_44 = arith.constant 40 : i32
    %mul3A = arith.constant 640 : i32
    %mul3A_45 = arith.muli %arg1, %mul3A : i32
    "tpu.region"() ({
      %run_scoped3A = tpu.sem_alloc : memref<!tpu.dma_semaphore, #tpu.memory_space<semaphore_mem>>
      %dma_start3A = tpu.memref_slice %arg8[%mul3A_45] : memref<10240xf32, #tpu.memory_space<vmem_shared>> -> memref<640xf32, #tpu.memory_space<vmem_shared>>
      %dma_start3A_57 = tpu.memref_slice %arg8[%mul3A_45] : memref<10240xf32, #tpu.memory_space<vmem_shared>> -> memref<640xf32, #tpu.memory_space<vmem_shared>>
      tpu.enqueue_dma source(%arg7 : memref<640xf32, #tpu.memory_space<vmem>>) target(%dma_start3A_57 : memref<640xf32, #tpu.memory_space<vmem_shared>>) target_semaphore(%run_scoped3A : memref<!tpu.dma_semaphore, #tpu.memory_space<semaphore_mem>>)
      %dma_wait3A = tpu.memref_slice %arg8[%mul3A_45] : memref<10240xf32, #tpu.memory_space<vmem_shared>> -> memref<640xf32, #tpu.memory_space<vmem_shared>>
      %dma_wait3A_58 = tpu.memref_slice %arg8[%mul3A_45] : memref<10240xf32, #tpu.memory_space<vmem_shared>> -> memref<640xf32, #tpu.memory_space<vmem_shared>>
      tpu.wait_dma2 semaphore(%run_scoped3A : memref<!tpu.dma_semaphore, #tpu.memory_space<semaphore_mem>>) src(%arg7 : memref<640xf32, #tpu.memory_space<vmem>>) dst(%dma_wait3A_58 : memref<640xf32, #tpu.memory_space<vmem_shared>>)
      tpu.yield
    }) : () -> ()
    %barrier3A = arith.constant 0 : index
    tpu.barrier barrier_id(%barrier3A)
    %scan3A_46 = arith.constant 0 : i32
    %scan3A_47 = arith.constant 0 : i32
    %scan3A_48 = arith.constant 157 : i32
    %scan3A_49 = arith.addi %scan3A_47, %scan3A_48 : i32
    %scan3A_50 = arith.constant 1 : i32
    scf.for %scan3A_57 = %scan3A_47 to %scan3A_49 step %scan3A_50  : i32 {
      "tpu.region"() ({
        %run_scoped3A = tpu.sem_alloc : memref<!tpu.dma_semaphore, #tpu.memory_space<semaphore_mem>>
        %dma_start3A = arith.constant 0 : i32
        %dma_start3A_58 = tpu.memref_slice %arg5[%scan3A_57, %dma_start3A] : memref<157x128xi32, #tpu.memory_space<vmem>> -> memref<1x128xi32, #tpu.memory_space<vmem>>
        %dma_start3A_59 = tpu.memref_squeeze %dma_start3A_58 : memref<1x128xi32, #tpu.memory_space<vmem>> -> memref<128xi32, #tpu.memory_space<vmem>>
        %dma_start3A_60 = arith.constant 0 : i32
        %dma_start3A_61 = tpu.memref_slice %arg8[%dma_start3A_60] : memref<10240xf32, #tpu.memory_space<vmem_shared>> -> memref<10240xf32, #tpu.memory_space<vmem_shared>>
        tpu.enqueue_indirect_dma source(%arg6 : memref<128xf32, #tpu.memory_space<vmem>>) target(%dma_start3A_61 : memref<10240xf32, #tpu.memory_space<vmem_shared>>) offsets(%dma_start3A_59 : memref<128xi32, #tpu.memory_space<vmem>>) semaphore(%run_scoped3A : memref<!tpu.dma_semaphore, #tpu.memory_space<semaphore_mem>>) {add = true}
        %dma_wait3A = arith.constant 0 : i32
        %dma_wait3A_62 = tpu.memref_slice %arg5[%scan3A_57, %dma_wait3A] : memref<157x128xi32, #tpu.memory_space<vmem>> -> memref<1x128xi32, #tpu.memory_space<vmem>>
        %dma_wait3A_63 = tpu.memref_squeeze %dma_wait3A_62 : memref<1x128xi32, #tpu.memory_space<vmem>> -> memref<128xi32, #tpu.memory_space<vmem>>
        %dma_wait3A_64 = arith.constant 0 : i32
        %dma_wait3A_65 = tpu.memref_slice %arg8[%dma_wait3A_64] : memref<10240xf32, #tpu.memory_space<vmem_shared>> -> memref<10240xf32, #tpu.memory_space<vmem_shared>>
        tpu.wait_indirect_dma semaphore(%run_scoped3A : memref<!tpu.dma_semaphore, #tpu.memory_space<semaphore_mem>>) src(%arg6 : memref<128xf32, #tpu.memory_space<vmem>>) dst(%dma_wait3A_65 : memref<10240xf32, #tpu.memory_space<vmem_shared>>)
        tpu.yield
      }) : () -> ()
    }
    %scan3A_51 = arith.constant 157 : i32
    %barrier3A_52 = arith.constant 0 : index
    tpu.barrier barrier_id(%barrier3A_52)
    %mul3A_53 = arith.constant 640 : i32
    %mul3A_54 = arith.muli %arg1, %mul3A_53 : i32
    %mul3A_55 = arith.constant 640 : i32
    %mul3A_56 = arith.muli %arg1, %mul3A_55 : i32
    "tpu.region"() ({
      %run_scoped3A = tpu.sem_alloc : memref<!tpu.dma_semaphore, #tpu.memory_space<semaphore_mem>>
      %dma_start3A = tpu.memref_slice %arg4[%arg0, %mul3A_56] : memref<2x10240xf32, #tpu.memory_space<hbm>> -> memref<1x640xf32, #tpu.memory_space<hbm>>
      %dma_start3A_57 = tpu.memref_squeeze %dma_start3A : memref<1x640xf32, #tpu.memory_space<hbm>> -> memref<640xf32, #tpu.memory_space<hbm>>
      %dma_start3A_58 = tpu.memref_slice %arg8[%mul3A_54] : memref<10240xf32, #tpu.memory_space<vmem_shared>> -> memref<640xf32, #tpu.memory_space<vmem_shared>>
      tpu.enqueue_dma source(%dma_start3A_58 : memref<640xf32, #tpu.memory_space<vmem_shared>>) target(%dma_start3A_57 : memref<640xf32, #tpu.memory_space<hbm>>) target_semaphore(%run_scoped3A : memref<!tpu.dma_semaphore, #tpu.memory_space<semaphore_mem>>)
      %dma_wait3A = tpu.memref_slice %arg4[%arg0, %mul3A_56] : memref<2x10240xf32, #tpu.memory_space<hbm>> -> memref<1x640xf32, #tpu.memory_space<hbm>>
      %dma_wait3A_59 = tpu.memref_squeeze %dma_wait3A : memref<1x640xf32, #tpu.memory_space<hbm>> -> memref<640xf32, #tpu.memory_space<hbm>>
      %dma_wait3A_60 = tpu.memref_slice %arg8[%mul3A_54] : memref<10240xf32, #tpu.memory_space<vmem_shared>> -> memref<640xf32, #tpu.memory_space<vmem_shared>>
      tpu.wait_dma2 semaphore(%run_scoped3A : memref<!tpu.dma_semaphore, #tpu.memory_space<semaphore_mem>>) src(%dma_wait3A_60 : memref<640xf32, #tpu.memory_space<vmem_shared>>) dst(%dma_wait3A_59 : memref<640xf32, #tpu.memory_space<hbm>>)
      tpu.yield
    }) : () -> ()
    return
  }
}

#map = affine_map<(d0, d1) -> (0, 0)>
#map1 = affine_map<(d0, d1) -> (0, 0, 0, 0)>
#map2 = affine_map<(d0, d1) -> (0, 0, 0)>
module attributes {stable_mosaic.version = 14 : i64} {
  func.func @agg_kernel(%arg0: i32, %arg1: i32, %arg2: memref<10240x128xf32, #tpu.memory_space<hbm>>, %arg3: memref<10240x128xf32, #tpu.memory_space<hbm>>, %arg4: memref<32x2x95x128xi32, #tpu.memory_space<hbm>>, %arg5: memref<2x10240x128xf32, #tpu.memory_space<hbm>>, %arg6: memref<2x95x128xi32, #tpu.memory_space<vmem>>, %arg7: memref<128x128xf32, #tpu.memory_space<vmem>>, %arg8: memref<10240x128xf32, #tpu.memory_space<vmem_shared>>, %arg9: memref<!tpu.dma_semaphore, #tpu.memory_space<semaphore_mem>>) attributes {dimension_semantics = [#tpu.dimension_semantics<core_parallel>, #tpu.dimension_semantics<subcore_parallel>], iteration_bounds = array<i64: 2, 16>, scalar_prefetch = 0 : i64, scratch_operands = 4 : i64, tpu.core_type = #tpu.core_type<sc_vector_subcore>, window_params = [{transform_indices = #map}, {transform_indices = #map}, {transform_indices = #map1}, {transform_indices = #map2}]} {
    %mul3A = arith.constant 16 : i32
    %mul3A_0 = arith.muli %arg0, %mul3A : i32
    %add3A = arith.addi %mul3A_0, %arg1 : i32
    %broadcast_in_dim3A = arith.constant 0.000000e+00 : f32
    %broadcast_in_dim3A_1 = vector.broadcast %broadcast_in_dim3A : f32 to vector<16xf32>
    %scan3A = arith.constant 0 : i32
    %scan3A_2 = arith.constant 0 : i32
    %scan3A_3 = arith.constant 128 : i32
    %scan3A_4 = arith.addi %scan3A_2, %scan3A_3 : i32
    %scan3A_5 = arith.constant 1 : i32
    scf.for %scan3A_27 = %scan3A_2 to %scan3A_4 step %scan3A_5  : i32 {
      %swap3A = arith.index_cast %scan3A_27 : i32 to index
      %swap3A_28 = arith.constant 0 : index
      %swap3A_29 = tpu.vector_load %arg7[%swap3A, %swap3A_28] {strides = array<i32>} : memref<128x128xf32, #tpu.memory_space<vmem>>, vector<1x16xf32>,
      %swap3A_30 = vector.shape_cast %swap3A_29 : vector<1x16xf32> to vector<16xf32>
      %swap3A_31 = vector.shape_cast %broadcast_in_dim3A_1 : vector<16xf32> to vector<1x16xf32>
      tpu.vector_store %arg7[%swap3A, %swap3A_28], %swap3A_31 {strides = array<i32>} : memref<128x128xf32, #tpu.memory_space<vmem>>, vector<1x16xf32>,
      %swap3A_32 = arith.index_cast %scan3A_27 : i32 to index
      %swap3A_33 = arith.constant 16 : index
      %swap3A_34 = tpu.vector_load %arg7[%swap3A_32, %swap3A_33] {strides = array<i32>} : memref<128x128xf32, #tpu.memory_space<vmem>>, vector<1x16xf32>,
      %swap3A_35 = vector.shape_cast %swap3A_34 : vector<1x16xf32> to vector<16xf32>
      %swap3A_36 = vector.shape_cast %broadcast_in_dim3A_1 : vector<16xf32> to vector<1x16xf32>
      tpu.vector_store %arg7[%swap3A_32, %swap3A_33], %swap3A_36 {strides = array<i32>} : memref<128x128xf32, #tpu.memory_space<vmem>>, vector<1x16xf32>,
      %swap3A_37 = arith.index_cast %scan3A_27 : i32 to index
      %swap3A_38 = arith.constant 32 : index
      %swap3A_39 = tpu.vector_load %arg7[%swap3A_37, %swap3A_38] {strides = array<i32>} : memref<128x128xf32, #tpu.memory_space<vmem>>, vector<1x16xf32>,
      %swap3A_40 = vector.shape_cast %swap3A_39 : vector<1x16xf32> to vector<16xf32>
      %swap3A_41 = vector.shape_cast %broadcast_in_dim3A_1 : vector<16xf32> to vector<1x16xf32>
      tpu.vector_store %arg7[%swap3A_37, %swap3A_38], %swap3A_41 {strides = array<i32>} : memref<128x128xf32, #tpu.memory_space<vmem>>, vector<1x16xf32>,
      %swap3A_42 = arith.index_cast %scan3A_27 : i32 to index
      %swap3A_43 = arith.constant 48 : index
      %swap3A_44 = tpu.vector_load %arg7[%swap3A_42, %swap3A_43] {strides = array<i32>} : memref<128x128xf32, #tpu.memory_space<vmem>>, vector<1x16xf32>,
      %swap3A_45 = vector.shape_cast %swap3A_44 : vector<1x16xf32> to vector<16xf32>
      %swap3A_46 = vector.shape_cast %broadcast_in_dim3A_1 : vector<16xf32> to vector<1x16xf32>
      tpu.vector_store %arg7[%swap3A_42, %swap3A_43], %swap3A_46 {strides = array<i32>} : memref<128x128xf32, #tpu.memory_space<vmem>>, vector<1x16xf32>,
      %swap3A_47 = arith.index_cast %scan3A_27 : i32 to index
      %swap3A_48 = arith.constant 64 : index
      %swap3A_49 = tpu.vector_load %arg7[%swap3A_47, %swap3A_48] {strides = array<i32>} : memref<128x128xf32, #tpu.memory_space<vmem>>, vector<1x16xf32>,
      %swap3A_50 = vector.shape_cast %swap3A_49 : vector<1x16xf32> to vector<16xf32>
      %swap3A_51 = vector.shape_cast %broadcast_in_dim3A_1 : vector<16xf32> to vector<1x16xf32>
      tpu.vector_store %arg7[%swap3A_47, %swap3A_48], %swap3A_51 {strides = array<i32>} : memref<128x128xf32, #tpu.memory_space<vmem>>, vector<1x16xf32>,
      %swap3A_52 = arith.index_cast %scan3A_27 : i32 to index
      %swap3A_53 = arith.constant 80 : index
      %swap3A_54 = tpu.vector_load %arg7[%swap3A_52, %swap3A_53] {strides = array<i32>} : memref<128x128xf32, #tpu.memory_space<vmem>>, vector<1x16xf32>,
      %swap3A_55 = vector.shape_cast %swap3A_54 : vector<1x16xf32> to vector<16xf32>
      %swap3A_56 = vector.shape_cast %broadcast_in_dim3A_1 : vector<16xf32> to vector<1x16xf32>
      tpu.vector_store %arg7[%swap3A_52, %swap3A_53], %swap3A_56 {strides = array<i32>} : memref<128x128xf32, #tpu.memory_space<vmem>>, vector<1x16xf32>,
      %swap3A_57 = arith.index_cast %scan3A_27 : i32 to index
      %swap3A_58 = arith.constant 96 : index
      %swap3A_59 = tpu.vector_load %arg7[%swap3A_57, %swap3A_58] {strides = array<i32>} : memref<128x128xf32, #tpu.memory_space<vmem>>, vector<1x16xf32>,
      %swap3A_60 = vector.shape_cast %swap3A_59 : vector<1x16xf32> to vector<16xf32>
      %swap3A_61 = vector.shape_cast %broadcast_in_dim3A_1 : vector<16xf32> to vector<1x16xf32>
      tpu.vector_store %arg7[%swap3A_57, %swap3A_58], %swap3A_61 {strides = array<i32>} : memref<128x128xf32, #tpu.memory_space<vmem>>, vector<1x16xf32>,
      %swap3A_62 = arith.index_cast %scan3A_27 : i32 to index
      %swap3A_63 = arith.constant 112 : index
      %swap3A_64 = tpu.vector_load %arg7[%swap3A_62, %swap3A_63] {strides = array<i32>} : memref<128x128xf32, #tpu.memory_space<vmem>>, vector<1x16xf32>,
      %swap3A_65 = vector.shape_cast %swap3A_64 : vector<1x16xf32> to vector<16xf32>
      %swap3A_66 = vector.shape_cast %broadcast_in_dim3A_1 : vector<16xf32> to vector<1x16xf32>
      tpu.vector_store %arg7[%swap3A_62, %swap3A_63], %swap3A_66 {strides = array<i32>} : memref<128x128xf32, #tpu.memory_space<vmem>>, vector<1x16xf32>,
    }
    %scan3A_6 = arith.constant 128 : i32
    %mul3A_7 = arith.constant 640 : i32
    %mul3A_8 = arith.muli %arg1, %mul3A_7 : i32
    %add3A_9 = arith.constant 0 : i32
    %add3A_10 = arith.addi %mul3A_8, %add3A_9 : i32
    "tpu.region"() ({
      %run_scoped3A = tpu.sem_alloc : memref<!tpu.dma_semaphore, #tpu.memory_space<semaphore_mem>>
      %dma_start3A = arith.constant 0 : i32
      %dma_start3A_27 = arith.constant 0 : i32
      %dma_start3A_28 = tpu.memref_slice %arg7[%dma_start3A, %dma_start3A_27] : memref<128x128xf32, #tpu.memory_space<vmem>> -> memref<128x128xf32, #tpu.memory_space<vmem>>
      %dma_start3A_29 = arith.constant 0 : i32
      %dma_start3A_30 = tpu.memref_slice %arg8[%add3A_10, %dma_start3A_29] : memref<10240x128xf32, #tpu.memory_space<vmem_shared>> -> memref<128x128xf32, #tpu.memory_space<vmem_shared>>
      %dma_start3A_31 = arith.constant 0 : i32
      %dma_start3A_32 = tpu.memref_slice %arg8[%add3A_10, %dma_start3A_31] : memref<10240x128xf32, #tpu.memory_space<vmem_shared>> -> memref<128x128xf32, #tpu.memory_space<vmem_shared>>
      %dma_start3A_33 = arith.constant 0 : i32
      %dma_start3A_34 = arith.constant 0 : i32
      %dma_start3A_35 = tpu.memref_slice %arg7[%dma_start3A_33, %dma_start3A_34] : memref<128x128xf32, #tpu.memory_space<vmem>> -> memref<128x128xf32, #tpu.memory_space<vmem>>
      tpu.enqueue_dma source(%dma_start3A_35 : memref<128x128xf32, #tpu.memory_space<vmem>>) target(%dma_start3A_32 : memref<128x128xf32, #tpu.memory_space<vmem_shared>>) target_semaphore(%run_scoped3A : memref<!tpu.dma_semaphore, #tpu.memory_space<semaphore_mem>>)
      %dma_wait3A = arith.constant 0 : i32
      %dma_wait3A_36 = arith.constant 0 : i32
      %dma_wait3A_37 = tpu.memref_slice %arg7[%dma_wait3A, %dma_wait3A_36] : memref<128x128xf32, #tpu.memory_space<vmem>> -> memref<128x128xf32, #tpu.memory_space<vmem>>
      %dma_wait3A_38 = arith.constant 0 : i32
      %dma_wait3A_39 = tpu.memref_slice %arg8[%add3A_10, %dma_wait3A_38] : memref<10240x128xf32, #tpu.memory_space<vmem_shared>> -> memref<128x128xf32, #tpu.memory_space<vmem_shared>>
      %dma_wait3A_40 = arith.constant 0 : i32
      %dma_wait3A_41 = tpu.memref_slice %arg8[%add3A_10, %dma_wait3A_40] : memref<10240x128xf32, #tpu.memory_space<vmem_shared>> -> memref<128x128xf32, #tpu.memory_space<vmem_shared>>
      %dma_wait3A_42 = arith.constant 0 : i32
      %dma_wait3A_43 = arith.constant 0 : i32
      %dma_wait3A_44 = tpu.memref_slice %arg7[%dma_wait3A_42, %dma_wait3A_43] : memref<128x128xf32, #tpu.memory_space<vmem>> -> memref<128x128xf32, #tpu.memory_space<vmem>>
      tpu.wait_dma2 semaphore(%run_scoped3A : memref<!tpu.dma_semaphore, #tpu.memory_space<semaphore_mem>>) src(%dma_wait3A_44 : memref<128x128xf32, #tpu.memory_space<vmem>>) dst(%dma_wait3A_41 : memref<128x128xf32, #tpu.memory_space<vmem_shared>>)
      tpu.yield
    }) : () -> ()
    %add3A_11 = arith.constant 128 : i32
    %add3A_12 = arith.addi %mul3A_8, %add3A_11 : i32
    "tpu.region"() ({
      %run_scoped3A = tpu.sem_alloc : memref<!tpu.dma_semaphore, #tpu.memory_space<semaphore_mem>>
      %dma_start3A = arith.constant 0 : i32
      %dma_start3A_27 = arith.constant 0 : i32
      %dma_start3A_28 = tpu.memref_slice %arg7[%dma_start3A, %dma_start3A_27] : memref<128x128xf32, #tpu.memory_space<vmem>> -> memref<128x128xf32, #tpu.memory_space<vmem>>
      %dma_start3A_29 = arith.constant 0 : i32
      %dma_start3A_30 = tpu.memref_slice %arg8[%add3A_12, %dma_start3A_29] : memref<10240x128xf32, #tpu.memory_space<vmem_shared>> -> memref<128x128xf32, #tpu.memory_space<vmem_shared>>
      %dma_start3A_31 = arith.constant 0 : i32
      %dma_start3A_32 = tpu.memref_slice %arg8[%add3A_12, %dma_start3A_31] : memref<10240x128xf32, #tpu.memory_space<vmem_shared>> -> memref<128x128xf32, #tpu.memory_space<vmem_shared>>
      %dma_start3A_33 = arith.constant 0 : i32
      %dma_start3A_34 = arith.constant 0 : i32
      %dma_start3A_35 = tpu.memref_slice %arg7[%dma_start3A_33, %dma_start3A_34] : memref<128x128xf32, #tpu.memory_space<vmem>> -> memref<128x128xf32, #tpu.memory_space<vmem>>
      tpu.enqueue_dma source(%dma_start3A_35 : memref<128x128xf32, #tpu.memory_space<vmem>>) target(%dma_start3A_32 : memref<128x128xf32, #tpu.memory_space<vmem_shared>>) target_semaphore(%run_scoped3A : memref<!tpu.dma_semaphore, #tpu.memory_space<semaphore_mem>>)
      %dma_wait3A = arith.constant 0 : i32
      %dma_wait3A_36 = arith.constant 0 : i32
      %dma_wait3A_37 = tpu.memref_slice %arg7[%dma_wait3A, %dma_wait3A_36] : memref<128x128xf32, #tpu.memory_space<vmem>> -> memref<128x128xf32, #tpu.memory_space<vmem>>
      %dma_wait3A_38 = arith.constant 0 : i32
      %dma_wait3A_39 = tpu.memref_slice %arg8[%add3A_12, %dma_wait3A_38] : memref<10240x128xf32, #tpu.memory_space<vmem_shared>> -> memref<128x128xf32, #tpu.memory_space<vmem_shared>>
      %dma_wait3A_40 = arith.constant 0 : i32
      %dma_wait3A_41 = tpu.memref_slice %arg8[%add3A_12, %dma_wait3A_40] : memref<10240x128xf32, #tpu.memory_space<vmem_shared>> -> memref<128x128xf32, #tpu.memory_space<vmem_shared>>
      %dma_wait3A_42 = arith.constant 0 : i32
      %dma_wait3A_43 = arith.constant 0 : i32
      %dma_wait3A_44 = tpu.memref_slice %arg7[%dma_wait3A_42, %dma_wait3A_43] : memref<128x128xf32, #tpu.memory_space<vmem>> -> memref<128x128xf32, #tpu.memory_space<vmem>>
      tpu.wait_dma2 semaphore(%run_scoped3A : memref<!tpu.dma_semaphore, #tpu.memory_space<semaphore_mem>>) src(%dma_wait3A_44 : memref<128x128xf32, #tpu.memory_space<vmem>>) dst(%dma_wait3A_41 : memref<128x128xf32, #tpu.memory_space<vmem_shared>>)
      tpu.yield
    }) : () -> ()
    %add3A_13 = arith.constant 256 : i32
    %add3A_14 = arith.addi %mul3A_8, %add3A_13 : i32
    "tpu.region"() ({
      %run_scoped3A = tpu.sem_alloc : memref<!tpu.dma_semaphore, #tpu.memory_space<semaphore_mem>>
      %dma_start3A = arith.constant 0 : i32
      %dma_start3A_27 = arith.constant 0 : i32
      %dma_start3A_28 = tpu.memref_slice %arg7[%dma_start3A, %dma_start3A_27] : memref<128x128xf32, #tpu.memory_space<vmem>> -> memref<128x128xf32, #tpu.memory_space<vmem>>
      %dma_start3A_29 = arith.constant 0 : i32
      %dma_start3A_30 = tpu.memref_slice %arg8[%add3A_14, %dma_start3A_29] : memref<10240x128xf32, #tpu.memory_space<vmem_shared>> -> memref<128x128xf32, #tpu.memory_space<vmem_shared>>
      %dma_start3A_31 = arith.constant 0 : i32
      %dma_start3A_32 = tpu.memref_slice %arg8[%add3A_14, %dma_start3A_31] : memref<10240x128xf32, #tpu.memory_space<vmem_shared>> -> memref<128x128xf32, #tpu.memory_space<vmem_shared>>
      %dma_start3A_33 = arith.constant 0 : i32
      %dma_start3A_34 = arith.constant 0 : i32
      %dma_start3A_35 = tpu.memref_slice %arg7[%dma_start3A_33, %dma_start3A_34] : memref<128x128xf32, #tpu.memory_space<vmem>> -> memref<128x128xf32, #tpu.memory_space<vmem>>
      tpu.enqueue_dma source(%dma_start3A_35 : memref<128x128xf32, #tpu.memory_space<vmem>>) target(%dma_start3A_32 : memref<128x128xf32, #tpu.memory_space<vmem_shared>>) target_semaphore(%run_scoped3A : memref<!tpu.dma_semaphore, #tpu.memory_space<semaphore_mem>>)
      %dma_wait3A = arith.constant 0 : i32
      %dma_wait3A_36 = arith.constant 0 : i32
      %dma_wait3A_37 = tpu.memref_slice %arg7[%dma_wait3A, %dma_wait3A_36] : memref<128x128xf32, #tpu.memory_space<vmem>> -> memref<128x128xf32, #tpu.memory_space<vmem>>
      %dma_wait3A_38 = arith.constant 0 : i32
      %dma_wait3A_39 = tpu.memref_slice %arg8[%add3A_14, %dma_wait3A_38] : memref<10240x128xf32, #tpu.memory_space<vmem_shared>> -> memref<128x128xf32, #tpu.memory_space<vmem_shared>>
      %dma_wait3A_40 = arith.constant 0 : i32
      %dma_wait3A_41 = tpu.memref_slice %arg8[%add3A_14, %dma_wait3A_40] : memref<10240x128xf32, #tpu.memory_space<vmem_shared>> -> memref<128x128xf32, #tpu.memory_space<vmem_shared>>
      %dma_wait3A_42 = arith.constant 0 : i32
      %dma_wait3A_43 = arith.constant 0 : i32
      %dma_wait3A_44 = tpu.memref_slice %arg7[%dma_wait3A_42, %dma_wait3A_43] : memref<128x128xf32, #tpu.memory_space<vmem>> -> memref<128x128xf32, #tpu.memory_space<vmem>>
      tpu.wait_dma2 semaphore(%run_scoped3A : memref<!tpu.dma_semaphore, #tpu.memory_space<semaphore_mem>>) src(%dma_wait3A_44 : memref<128x128xf32, #tpu.memory_space<vmem>>) dst(%dma_wait3A_41 : memref<128x128xf32, #tpu.memory_space<vmem_shared>>)
      tpu.yield
    }) : () -> ()
    %add3A_15 = arith.constant 384 : i32
    %add3A_16 = arith.addi %mul3A_8, %add3A_15 : i32
    "tpu.region"() ({
      %run_scoped3A = tpu.sem_alloc : memref<!tpu.dma_semaphore, #tpu.memory_space<semaphore_mem>>
      %dma_start3A = arith.constant 0 : i32
      %dma_start3A_27 = arith.constant 0 : i32
      %dma_start3A_28 = tpu.memref_slice %arg7[%dma_start3A, %dma_start3A_27] : memref<128x128xf32, #tpu.memory_space<vmem>> -> memref<128x128xf32, #tpu.memory_space<vmem>>
      %dma_start3A_29 = arith.constant 0 : i32
      %dma_start3A_30 = tpu.memref_slice %arg8[%add3A_16, %dma_start3A_29] : memref<10240x128xf32, #tpu.memory_space<vmem_shared>> -> memref<128x128xf32, #tpu.memory_space<vmem_shared>>
      %dma_start3A_31 = arith.constant 0 : i32
      %dma_start3A_32 = tpu.memref_slice %arg8[%add3A_16, %dma_start3A_31] : memref<10240x128xf32, #tpu.memory_space<vmem_shared>> -> memref<128x128xf32, #tpu.memory_space<vmem_shared>>
      %dma_start3A_33 = arith.constant 0 : i32
      %dma_start3A_34 = arith.constant 0 : i32
      %dma_start3A_35 = tpu.memref_slice %arg7[%dma_start3A_33, %dma_start3A_34] : memref<128x128xf32, #tpu.memory_space<vmem>> -> memref<128x128xf32, #tpu.memory_space<vmem>>
      tpu.enqueue_dma source(%dma_start3A_35 : memref<128x128xf32, #tpu.memory_space<vmem>>) target(%dma_start3A_32 : memref<128x128xf32, #tpu.memory_space<vmem_shared>>) target_semaphore(%run_scoped3A : memref<!tpu.dma_semaphore, #tpu.memory_space<semaphore_mem>>)
      %dma_wait3A = arith.constant 0 : i32
      %dma_wait3A_36 = arith.constant 0 : i32
      %dma_wait3A_37 = tpu.memref_slice %arg7[%dma_wait3A, %dma_wait3A_36] : memref<128x128xf32, #tpu.memory_space<vmem>> -> memref<128x128xf32, #tpu.memory_space<vmem>>
      %dma_wait3A_38 = arith.constant 0 : i32
      %dma_wait3A_39 = tpu.memref_slice %arg8[%add3A_16, %dma_wait3A_38] : memref<10240x128xf32, #tpu.memory_space<vmem_shared>> -> memref<128x128xf32, #tpu.memory_space<vmem_shared>>
      %dma_wait3A_40 = arith.constant 0 : i32
      %dma_wait3A_41 = tpu.memref_slice %arg8[%add3A_16, %dma_wait3A_40] : memref<10240x128xf32, #tpu.memory_space<vmem_shared>> -> memref<128x128xf32, #tpu.memory_space<vmem_shared>>
      %dma_wait3A_42 = arith.constant 0 : i32
      %dma_wait3A_43 = arith.constant 0 : i32
      %dma_wait3A_44 = tpu.memref_slice %arg7[%dma_wait3A_42, %dma_wait3A_43] : memref<128x128xf32, #tpu.memory_space<vmem>> -> memref<128x128xf32, #tpu.memory_space<vmem>>
      tpu.wait_dma2 semaphore(%run_scoped3A : memref<!tpu.dma_semaphore, #tpu.memory_space<semaphore_mem>>) src(%dma_wait3A_44 : memref<128x128xf32, #tpu.memory_space<vmem>>) dst(%dma_wait3A_41 : memref<128x128xf32, #tpu.memory_space<vmem_shared>>)
      tpu.yield
    }) : () -> ()
    %add3A_17 = arith.constant 512 : i32
    %add3A_18 = arith.addi %mul3A_8, %add3A_17 : i32
    "tpu.region"() ({
      %run_scoped3A = tpu.sem_alloc : memref<!tpu.dma_semaphore, #tpu.memory_space<semaphore_mem>>
      %dma_start3A = arith.constant 0 : i32
      %dma_start3A_27 = arith.constant 0 : i32
      %dma_start3A_28 = tpu.memref_slice %arg7[%dma_start3A, %dma_start3A_27] : memref<128x128xf32, #tpu.memory_space<vmem>> -> memref<128x128xf32, #tpu.memory_space<vmem>>
      %dma_start3A_29 = arith.constant 0 : i32
      %dma_start3A_30 = tpu.memref_slice %arg8[%add3A_18, %dma_start3A_29] : memref<10240x128xf32, #tpu.memory_space<vmem_shared>> -> memref<128x128xf32, #tpu.memory_space<vmem_shared>>
      %dma_start3A_31 = arith.constant 0 : i32
      %dma_start3A_32 = tpu.memref_slice %arg8[%add3A_18, %dma_start3A_31] : memref<10240x128xf32, #tpu.memory_space<vmem_shared>> -> memref<128x128xf32, #tpu.memory_space<vmem_shared>>
      %dma_start3A_33 = arith.constant 0 : i32
      %dma_start3A_34 = arith.constant 0 : i32
      %dma_start3A_35 = tpu.memref_slice %arg7[%dma_start3A_33, %dma_start3A_34] : memref<128x128xf32, #tpu.memory_space<vmem>> -> memref<128x128xf32, #tpu.memory_space<vmem>>
      tpu.enqueue_dma source(%dma_start3A_35 : memref<128x128xf32, #tpu.memory_space<vmem>>) target(%dma_start3A_32 : memref<128x128xf32, #tpu.memory_space<vmem_shared>>) target_semaphore(%run_scoped3A : memref<!tpu.dma_semaphore, #tpu.memory_space<semaphore_mem>>)
      %dma_wait3A = arith.constant 0 : i32
      %dma_wait3A_36 = arith.constant 0 : i32
      %dma_wait3A_37 = tpu.memref_slice %arg7[%dma_wait3A, %dma_wait3A_36] : memref<128x128xf32, #tpu.memory_space<vmem>> -> memref<128x128xf32, #tpu.memory_space<vmem>>
      %dma_wait3A_38 = arith.constant 0 : i32
      %dma_wait3A_39 = tpu.memref_slice %arg8[%add3A_18, %dma_wait3A_38] : memref<10240x128xf32, #tpu.memory_space<vmem_shared>> -> memref<128x128xf32, #tpu.memory_space<vmem_shared>>
      %dma_wait3A_40 = arith.constant 0 : i32
      %dma_wait3A_41 = tpu.memref_slice %arg8[%add3A_18, %dma_wait3A_40] : memref<10240x128xf32, #tpu.memory_space<vmem_shared>> -> memref<128x128xf32, #tpu.memory_space<vmem_shared>>
      %dma_wait3A_42 = arith.constant 0 : i32
      %dma_wait3A_43 = arith.constant 0 : i32
      %dma_wait3A_44 = tpu.memref_slice %arg7[%dma_wait3A_42, %dma_wait3A_43] : memref<128x128xf32, #tpu.memory_space<vmem>> -> memref<128x128xf32, #tpu.memory_space<vmem>>
      tpu.wait_dma2 semaphore(%run_scoped3A : memref<!tpu.dma_semaphore, #tpu.memory_space<semaphore_mem>>) src(%dma_wait3A_44 : memref<128x128xf32, #tpu.memory_space<vmem>>) dst(%dma_wait3A_41 : memref<128x128xf32, #tpu.memory_space<vmem_shared>>)
      tpu.yield
    }) : () -> ()
    %barrier3A = arith.constant 0 : index
    tpu.barrier barrier_id(%barrier3A)
    "tpu.region"() ({
      %run_scoped3A = tpu.sem_alloc : memref<!tpu.dma_semaphore, #tpu.memory_space<semaphore_mem>>
      %dma_start3A = arith.constant 0 : i32
      %dma_start3A_27 = arith.constant 0 : i32
      %dma_start3A_28 = arith.constant 0 : i32
      %dma_start3A_29 = tpu.memref_slice %arg4[%add3A, %dma_start3A, %dma_start3A_27, %dma_start3A_28] : memref<32x2x95x128xi32, #tpu.memory_space<hbm>> -> memref<1x2x95x128xi32, #tpu.memory_space<hbm>>
      %dma_start3A_30 = tpu.memref_squeeze %dma_start3A_29 : memref<1x2x95x128xi32, #tpu.memory_space<hbm>> -> memref<2x95x128xi32, #tpu.memory_space<hbm>>
      %dma_start3A_31 = arith.constant 0 : i32
      %dma_start3A_32 = arith.constant 0 : i32
      %dma_start3A_33 = arith.constant 0 : i32
      %dma_start3A_34 = tpu.memref_slice %arg4[%add3A, %dma_start3A_31, %dma_start3A_32, %dma_start3A_33] : memref<32x2x95x128xi32, #tpu.memory_space<hbm>> -> memref<1x2x95x128xi32, #tpu.memory_space<hbm>>
      %dma_start3A_35 = tpu.memref_squeeze %dma_start3A_34 : memref<1x2x95x128xi32, #tpu.memory_space<hbm>> -> memref<2x95x128xi32, #tpu.memory_space<hbm>>
      tpu.enqueue_dma source(%dma_start3A_35 : memref<2x95x128xi32, #tpu.memory_space<hbm>>) target(%arg6 : memref<2x95x128xi32, #tpu.memory_space<vmem>>) target_semaphore(%run_scoped3A : memref<!tpu.dma_semaphore, #tpu.memory_space<semaphore_mem>>)
      %dma_wait3A = arith.constant 0 : i32
      %dma_wait3A_36 = arith.constant 0 : i32
      %dma_wait3A_37 = arith.constant 0 : i32
      %dma_wait3A_38 = tpu.memref_slice %arg4[%add3A, %dma_wait3A, %dma_wait3A_36, %dma_wait3A_37] : memref<32x2x95x128xi32, #tpu.memory_space<hbm>> -> memref<1x2x95x128xi32, #tpu.memory_space<hbm>>
      %dma_wait3A_39 = tpu.memref_squeeze %dma_wait3A_38 : memref<1x2x95x128xi32, #tpu.memory_space<hbm>> -> memref<2x95x128xi32, #tpu.memory_space<hbm>>
      %dma_wait3A_40 = arith.constant 0 : i32
      %dma_wait3A_41 = arith.constant 0 : i32
      %dma_wait3A_42 = arith.constant 0 : i32
      %dma_wait3A_43 = tpu.memref_slice %arg4[%add3A, %dma_wait3A_40, %dma_wait3A_41, %dma_wait3A_42] : memref<32x2x95x128xi32, #tpu.memory_space<hbm>> -> memref<1x2x95x128xi32, #tpu.memory_space<hbm>>
      %dma_wait3A_44 = tpu.memref_squeeze %dma_wait3A_43 : memref<1x2x95x128xi32, #tpu.memory_space<hbm>> -> memref<2x95x128xi32, #tpu.memory_space<hbm>>
      tpu.wait_dma2 semaphore(%run_scoped3A : memref<!tpu.dma_semaphore, #tpu.memory_space<semaphore_mem>>) src(%dma_wait3A_44 : memref<2x95x128xi32, #tpu.memory_space<hbm>>) dst(%arg6 : memref<2x95x128xi32, #tpu.memory_space<vmem>>)
      tpu.yield
    }) : () -> ()
    %eq3A = arith.constant 0 : i32
    %eq3A_19 = arith.cmpi eq, %arg0, %eq3A : i32
    %convert_element_type3A = arith.extui %eq3A_19 : i1 to i32
    %cond3A = arith.constant 0 : i32
    %cond3A_20 = arith.cmpi ne, %convert_element_type3A, %cond3A : i32
    scf.if %cond3A_20 {
      %scan3A_27 = arith.constant 0 : i32
      %scan3A_28 = arith.constant 0 : i32
      %scan3A_29 = arith.constant 95 : i32
      %scan3A_30 = arith.addi %scan3A_28, %scan3A_29 : i32
      %scan3A_31 = arith.constant 1 : i32
      scf.for %scan3A_33 = %scan3A_28 to %scan3A_30 step %scan3A_31  : i32 {
        %dma_start3A = arith.constant 0 : i32
        %dma_start3A_34 = arith.constant 0 : i32
        %dma_start3A_35 = tpu.memref_slice %arg6[%dma_start3A, %scan3A_33, %dma_start3A_34] : memref<2x95x128xi32, #tpu.memory_space<vmem>> -> memref<1x1x128xi32, #tpu.memory_space<vmem>>
        %dma_start3A_36 = tpu.memref_squeeze %dma_start3A_35 : memref<1x1x128xi32, #tpu.memory_space<vmem>> -> memref<128xi32, #tpu.memory_space<vmem>>
        %dma_start3A_37 = arith.constant 0 : i32
        %dma_start3A_38 = arith.constant 0 : i32
        %dma_start3A_39 = tpu.memref_slice %arg2[%dma_start3A_37, %dma_start3A_38] : memref<10240x128xf32, #tpu.memory_space<hbm>> -> memref<10240x128xf32, #tpu.memory_space<hbm>>
        tpu.enqueue_indirect_dma source(%dma_start3A_39 : memref<10240x128xf32, #tpu.memory_space<hbm>>) target(%arg7 : memref<128x128xf32, #tpu.memory_space<vmem>>) offsets(%dma_start3A_36 : memref<128xi32, #tpu.memory_space<vmem>>) semaphore(%arg9 : memref<!tpu.dma_semaphore, #tpu.memory_space<semaphore_mem>>)
        %dma_wait3A = arith.constant 0 : i32
        %dma_wait3A_40 = arith.constant 0 : i32
        %dma_wait3A_41 = tpu.memref_slice %arg6[%dma_wait3A, %scan3A_33, %dma_wait3A_40] : memref<2x95x128xi32, #tpu.memory_space<vmem>> -> memref<1x1x128xi32, #tpu.memory_space<vmem>>
        %dma_wait3A_42 = tpu.memref_squeeze %dma_wait3A_41 : memref<1x1x128xi32, #tpu.memory_space<vmem>> -> memref<128xi32, #tpu.memory_space<vmem>>
        %dma_wait3A_43 = arith.constant 0 : i32
        %dma_wait3A_44 = arith.constant 0 : i32
        %dma_wait3A_45 = tpu.memref_slice %arg2[%dma_wait3A_43, %dma_wait3A_44] : memref<10240x128xf32, #tpu.memory_space<hbm>> -> memref<10240x128xf32, #tpu.memory_space<hbm>>
        tpu.wait_indirect_dma semaphore(%arg9 : memref<!tpu.dma_semaphore, #tpu.memory_space<semaphore_mem>>) src(%dma_wait3A_45 : memref<10240x128xf32, #tpu.memory_space<hbm>>) dst(%arg7 : memref<128x128xf32, #tpu.memory_space<vmem>>)
        %run_scoped3A = arith.constant 1 : i32
        "tpu.region"() ({
          %run_scoped3A_46 = tpu.sem_alloc : memref<!tpu.dma_semaphore, #tpu.memory_space<semaphore_mem>>
          %dma_start3A_47 = arith.constant 0 : i32
          %dma_start3A_48 = tpu.memref_slice %arg6[%run_scoped3A, %scan3A_33, %dma_start3A_47] : memref<2x95x128xi32, #tpu.memory_space<vmem>> -> memref<1x1x128xi32, #tpu.memory_space<vmem>>
          %dma_start3A_49 = tpu.memref_squeeze %dma_start3A_48 : memref<1x1x128xi32, #tpu.memory_space<vmem>> -> memref<128xi32, #tpu.memory_space<vmem>>
          %dma_start3A_50 = arith.constant 0 : i32
          %dma_start3A_51 = arith.constant 0 : i32
          %dma_start3A_52 = tpu.memref_slice %arg8[%dma_start3A_50, %dma_start3A_51] : memref<10240x128xf32, #tpu.memory_space<vmem_shared>> -> memref<10240x128xf32, #tpu.memory_space<vmem_shared>>
          tpu.enqueue_indirect_dma source(%arg7 : memref<128x128xf32, #tpu.memory_space<vmem>>) target(%dma_start3A_52 : memref<10240x128xf32, #tpu.memory_space<vmem_shared>>) offsets(%dma_start3A_49 : memref<128xi32, #tpu.memory_space<vmem>>) semaphore(%run_scoped3A_46 : memref<!tpu.dma_semaphore, #tpu.memory_space<semaphore_mem>>) {add = true}
          %dma_wait3A_53 = arith.constant 0 : i32
          %dma_wait3A_54 = tpu.memref_slice %arg6[%run_scoped3A, %scan3A_33, %dma_wait3A_53] : memref<2x95x128xi32, #tpu.memory_space<vmem>> -> memref<1x1x128xi32, #tpu.memory_space<vmem>>
          %dma_wait3A_55 = tpu.memref_squeeze %dma_wait3A_54 : memref<1x1x128xi32, #tpu.memory_space<vmem>> -> memref<128xi32, #tpu.memory_space<vmem>>
          %dma_wait3A_56 = arith.constant 0 : i32
          %dma_wait3A_57 = arith.constant 0 : i32
          %dma_wait3A_58 = tpu.memref_slice %arg8[%dma_wait3A_56, %dma_wait3A_57] : memref<10240x128xf32, #tpu.memory_space<vmem_shared>> -> memref<10240x128xf32, #tpu.memory_space<vmem_shared>>
          tpu.wait_indirect_dma semaphore(%run_scoped3A_46 : memref<!tpu.dma_semaphore, #tpu.memory_space<semaphore_mem>>) src(%arg7 : memref<128x128xf32, #tpu.memory_space<vmem>>) dst(%dma_wait3A_58 : memref<10240x128xf32, #tpu.memory_space<vmem_shared>>)
          tpu.yield
        }) : () -> ()
      }
      %scan3A_32 = arith.constant 95 : i32
    } else {
    }
    %eq3A_21 = arith.constant 1 : i32
    %eq3A_22 = arith.cmpi eq, %arg0, %eq3A_21 : i32
    %convert_element_type3A_23 = arith.extui %eq3A_22 : i1 to i32
    %cond3A_24 = arith.constant 0 : i32
    %cond3A_25 = arith.cmpi ne, %convert_element_type3A_23, %cond3A_24 : i32
    scf.if %cond3A_25 {
      %scan3A_27 = arith.constant 0 : i32
      %scan3A_28 = arith.constant 0 : i32
      %scan3A_29 = arith.constant 62 : i32
      %scan3A_30 = arith.addi %scan3A_28, %scan3A_29 : i32
      %scan3A_31 = arith.constant 1 : i32
      scf.for %scan3A_33 = %scan3A_28 to %scan3A_30 step %scan3A_31  : i32 {
        %dma_start3A = arith.constant 0 : i32
        %dma_start3A_34 = arith.constant 0 : i32
        %dma_start3A_35 = tpu.memref_slice %arg6[%dma_start3A, %scan3A_33, %dma_start3A_34] : memref<2x95x128xi32, #tpu.memory_space<vmem>> -> memref<1x1x128xi32, #tpu.memory_space<vmem>>
        %dma_start3A_36 = tpu.memref_squeeze %dma_start3A_35 : memref<1x1x128xi32, #tpu.memory_space<vmem>> -> memref<128xi32, #tpu.memory_space<vmem>>
        %dma_start3A_37 = arith.constant 0 : i32
        %dma_start3A_38 = arith.constant 0 : i32
        %dma_start3A_39 = tpu.memref_slice %arg3[%dma_start3A_37, %dma_start3A_38] : memref<10240x128xf32, #tpu.memory_space<hbm>> -> memref<10240x128xf32, #tpu.memory_space<hbm>>
        tpu.enqueue_indirect_dma source(%dma_start3A_39 : memref<10240x128xf32, #tpu.memory_space<hbm>>) target(%arg7 : memref<128x128xf32, #tpu.memory_space<vmem>>) offsets(%dma_start3A_36 : memref<128xi32, #tpu.memory_space<vmem>>) semaphore(%arg9 : memref<!tpu.dma_semaphore, #tpu.memory_space<semaphore_mem>>)
        %dma_wait3A = arith.constant 0 : i32
        %dma_wait3A_40 = arith.constant 0 : i32
        %dma_wait3A_41 = tpu.memref_slice %arg6[%dma_wait3A, %scan3A_33, %dma_wait3A_40] : memref<2x95x128xi32, #tpu.memory_space<vmem>> -> memref<1x1x128xi32, #tpu.memory_space<vmem>>
        %dma_wait3A_42 = tpu.memref_squeeze %dma_wait3A_41 : memref<1x1x128xi32, #tpu.memory_space<vmem>> -> memref<128xi32, #tpu.memory_space<vmem>>
        %dma_wait3A_43 = arith.constant 0 : i32
        %dma_wait3A_44 = arith.constant 0 : i32
        %dma_wait3A_45 = tpu.memref_slice %arg3[%dma_wait3A_43, %dma_wait3A_44] : memref<10240x128xf32, #tpu.memory_space<hbm>> -> memref<10240x128xf32, #tpu.memory_space<hbm>>
        tpu.wait_indirect_dma semaphore(%arg9 : memref<!tpu.dma_semaphore, #tpu.memory_space<semaphore_mem>>) src(%dma_wait3A_45 : memref<10240x128xf32, #tpu.memory_space<hbm>>) dst(%arg7 : memref<128x128xf32, #tpu.memory_space<vmem>>)
        %run_scoped3A = arith.constant 1 : i32
        "tpu.region"() ({
          %run_scoped3A_46 = tpu.sem_alloc : memref<!tpu.dma_semaphore, #tpu.memory_space<semaphore_mem>>
          %dma_start3A_47 = arith.constant 0 : i32
          %dma_start3A_48 = tpu.memref_slice %arg6[%run_scoped3A, %scan3A_33, %dma_start3A_47] : memref<2x95x128xi32, #tpu.memory_space<vmem>> -> memref<1x1x128xi32, #tpu.memory_space<vmem>>
          %dma_start3A_49 = tpu.memref_squeeze %dma_start3A_48 : memref<1x1x128xi32, #tpu.memory_space<vmem>> -> memref<128xi32, #tpu.memory_space<vmem>>
          %dma_start3A_50 = arith.constant 0 : i32
          %dma_start3A_51 = arith.constant 0 : i32
          %dma_start3A_52 = tpu.memref_slice %arg8[%dma_start3A_50, %dma_start3A_51] : memref<10240x128xf32, #tpu.memory_space<vmem_shared>> -> memref<10240x128xf32, #tpu.memory_space<vmem_shared>>
          tpu.enqueue_indirect_dma source(%arg7 : memref<128x128xf32, #tpu.memory_space<vmem>>) target(%dma_start3A_52 : memref<10240x128xf32, #tpu.memory_space<vmem_shared>>) offsets(%dma_start3A_49 : memref<128xi32, #tpu.memory_space<vmem>>) semaphore(%run_scoped3A_46 : memref<!tpu.dma_semaphore, #tpu.memory_space<semaphore_mem>>) {add = true}
          %dma_wait3A_53 = arith.constant 0 : i32
          %dma_wait3A_54 = tpu.memref_slice %arg6[%run_scoped3A, %scan3A_33, %dma_wait3A_53] : memref<2x95x128xi32, #tpu.memory_space<vmem>> -> memref<1x1x128xi32, #tpu.memory_space<vmem>>
          %dma_wait3A_55 = tpu.memref_squeeze %dma_wait3A_54 : memref<1x1x128xi32, #tpu.memory_space<vmem>> -> memref<128xi32, #tpu.memory_space<vmem>>
          %dma_wait3A_56 = arith.constant 0 : i32
          %dma_wait3A_57 = arith.constant 0 : i32
          %dma_wait3A_58 = tpu.memref_slice %arg8[%dma_wait3A_56, %dma_wait3A_57] : memref<10240x128xf32, #tpu.memory_space<vmem_shared>> -> memref<10240x128xf32, #tpu.memory_space<vmem_shared>>
          tpu.wait_indirect_dma semaphore(%run_scoped3A_46 : memref<!tpu.dma_semaphore, #tpu.memory_space<semaphore_mem>>) src(%arg7 : memref<128x128xf32, #tpu.memory_space<vmem>>) dst(%dma_wait3A_58 : memref<10240x128xf32, #tpu.memory_space<vmem_shared>>)
          tpu.yield
        }) : () -> ()
      }
      %scan3A_32 = arith.constant 62 : i32
    } else {
    }
    %barrier3A_26 = arith.constant 0 : index
    tpu.barrier barrier_id(%barrier3A_26)
    "tpu.region"() ({
      %run_scoped3A = tpu.sem_alloc : memref<!tpu.dma_semaphore, #tpu.memory_space<semaphore_mem>>
      %dma_start3A = arith.constant 0 : i32
      %dma_start3A_27 = tpu.memref_slice %arg5[%arg0, %mul3A_8, %dma_start3A] : memref<2x10240x128xf32, #tpu.memory_space<hbm>> -> memref<1x640x128xf32, #tpu.memory_space<hbm>>
      %dma_start3A_28 = tpu.memref_squeeze %dma_start3A_27 : memref<1x640x128xf32, #tpu.memory_space<hbm>> -> memref<640x128xf32, #tpu.memory_space<hbm>>
      %dma_start3A_29 = arith.constant 0 : i32
      %dma_start3A_30 = tpu.memref_slice %arg8[%mul3A_8, %dma_start3A_29] : memref<10240x128xf32, #tpu.memory_space<vmem_shared>> -> memref<640x128xf32, #tpu.memory_space<vmem_shared>>
      tpu.enqueue_dma source(%dma_start3A_30 : memref<640x128xf32, #tpu.memory_space<vmem_shared>>) target(%dma_start3A_28 : memref<640x128xf32, #tpu.memory_space<hbm>>) target_semaphore(%run_scoped3A : memref<!tpu.dma_semaphore, #tpu.memory_space<semaphore_mem>>)
      %dma_wait3A = arith.constant 0 : i32
      %dma_wait3A_31 = tpu.memref_slice %arg5[%arg0, %mul3A_8, %dma_wait3A] : memref<2x10240x128xf32, #tpu.memory_space<hbm>> -> memref<1x640x128xf32, #tpu.memory_space<hbm>>
      %dma_wait3A_32 = tpu.memref_squeeze %dma_wait3A_31 : memref<1x640x128xf32, #tpu.memory_space<hbm>> -> memref<640x128xf32, #tpu.memory_space<hbm>>
      %dma_wait3A_33 = arith.constant 0 : i32
      %dma_wait3A_34 = tpu.memref_slice %arg8[%mul3A_8, %dma_wait3A_33] : memref<10240x128xf32, #tpu.memory_space<vmem_shared>> -> memref<640x128xf32, #tpu.memory_space<vmem_shared>>
      tpu.wait_dma2 semaphore(%run_scoped3A : memref<!tpu.dma_semaphore, #tpu.memory_space<semaphore_mem>>) src(%dma_wait3A_34 : memref<640x128xf32, #tpu.memory_space<vmem_shared>>) dst(%dma_wait3A_32 : memref<640x128xf32, #tpu.memory_space<hbm>>)
      tpu.yield
    }) : () -> ()
    return
  }
}

module attributes {stable_mosaic.version = 14 : i64} {
  func.func @_tc1_body(%arg0: i32, %arg1: memref<2560x128xf32, #tpu.memory_space<vmem>>, %arg2: memref<2560x1xf32, #tpu.memory_space<vmem>>, %arg3: memref<128x128xf32, #tpu.memory_space<vmem>>, %arg4: memref<2560x128xf32, #tpu.memory_space<vmem>>, %arg5: memref<2560x128xf32, #tpu.memory_space<vmem>>) attributes {dimension_semantics = [#tpu.dimension_semantics<arbitrary>], iteration_bounds = array<i64: 4>, scalar_prefetch = 0 : i64, scratch_operands = 0 : i64, tpu.core_type = #tpu.core_type<tc>, window_params = [{transform_indices = @transform_0, window_bounds = array<i64: 2560, 128>}, {transform_indices = @transform_1, window_bounds = array<i64: 2560, 1>}, {pipeline_mode = #tpu.pipeline_mode<synchronous>, transform_indices = @transform_2, window_bounds = array<i64: 128, 128>}, {transform_indices = @transform_3, window_bounds = array<i64: 2560, 128>}, {transform_indices = @transform_4, window_bounds = array<i64: 2560, 128>}]} {
    %get3A = arith.constant 0 : index
    %get3A_0 = arith.constant 0 : index
    %get3A_1 = vector.load %arg2[%get3A, %get3A_0] : memref<2560x1xf32, #tpu.memory_space<vmem>>, vector<2560x1xf32>
    %max3A = arith.constant 1.000000e+00 : f32
    %max3A_2 = vector.broadcast %max3A : f32 to vector<2560x1xf32>
    %max3A_3 = arith.maximumf %get3A_1, %max3A_2 : vector<2560x1xf32>
    %rsqrt3A = math.rsqrt %max3A_3 : vector<2560x1xf32>
    %get3A_4 = arith.constant 0 : index
    %get3A_5 = arith.constant 0 : index
    %get3A_6 = vector.load %arg1[%get3A_4, %get3A_5] : memref<2560x128xf32, #tpu.memory_space<vmem>>, vector<2560x128xf32>
    %mul3A = vector.broadcast %rsqrt3A : vector<2560x1xf32> to vector<2560x128xf32>
    %mul3A_7 = arith.mulf %get3A_6, %mul3A : vector<2560x128xf32>
    %get3A_8 = arith.constant 0 : index
    %get3A_9 = arith.constant 0 : index
    %get3A_10 = vector.load %arg3[%get3A_8, %get3A_9] : memref<128x128xf32, #tpu.memory_space<vmem>>, vector<128x128xf32>
    %dot_general3A = arith.constant dense<0.000000e+00> : vector<2560x128xf32>
    %dot_general3A_11 = tpu.matmul %mul3A_7, %get3A_10, %dot_general3A {dimension_numbers = #tpu.dot_dimension_numbers<[1], [0], [0], [1], [0, 0, 1, 1], [], []>, transpose_lhs_hint = false} : vector<2560x128xf32>, vector<128x128xf32>, vector<2560x128xf32> -> vector<2560x128xf32>
    %swap3A = arith.constant 0 : index
    %swap3A_12 = arith.constant 0 : index
    %swap3A_13 = vector.load %arg4[%swap3A, %swap3A_12] : memref<2560x128xf32, #tpu.memory_space<vmem>>, vector<2560x128xf32>
    tpu.vector_store %arg4[%swap3A, %swap3A_12], %dot_general3A_11 {strides = array<i32>} : memref<2560x128xf32, #tpu.memory_space<vmem>>, vector<2560x128xf32>,
    %swap3A_14 = arith.constant 0 : index
    %swap3A_15 = arith.constant 0 : index
    %swap3A_16 = vector.load %arg5[%swap3A_14, %swap3A_15] : memref<2560x128xf32, #tpu.memory_space<vmem>>, vector<2560x128xf32>
    tpu.vector_store %arg5[%swap3A_14, %swap3A_15], %dot_general3A_11 {strides = array<i32>} : memref<2560x128xf32, #tpu.memory_space<vmem>>, vector<2560x128xf32>,
    return
  }
  func.func @transform_0(%arg0: i32) -> (i32, i32) {
    %c0_i32 = arith.constant 0 : i32
    %c0_i32_0 = arith.constant 0 : i32
    return %arg0, %c0_i32 : i32, i32
  }
  func.func @transform_1(%arg0: i32) -> (i32, i32) {
    %c0_i32 = arith.constant 0 : i32
    %c0_i32_0 = arith.constant 0 : i32
    return %arg0, %c0_i32 : i32, i32
  }
  func.func @transform_2(%arg0: i32) -> (i32, i32) {
    %c0_i32 = arith.constant 0 : i32
    %c0_i32_0 = arith.constant 0 : i32
    %c0_i32_1 = arith.constant 0 : i32
    return %c0_i32, %c0_i32_0 : i32, i32
  }
  func.func @transform_3(%arg0: i32) -> (i32, i32) {
    %c0_i32 = arith.constant 0 : i32
    %c0_i32_0 = arith.constant 0 : i32
    return %arg0, %c0_i32 : i32, i32
  }
  func.func @transform_4(%arg0: i32) -> (i32, i32) {
    %c0_i32 = arith.constant 0 : i32
    %c0_i32_0 = arith.constant 0 : i32
    return %arg0, %c0_i32 : i32, i32
  }
}

module attributes {stable_mosaic.version = 14 : i64} {
  func.func @_tc2_body(%arg0: i32, %arg1: memref<2x2560x128xf32, #tpu.memory_space<vmem>>, %arg2: memref<2560x1xf32, #tpu.memory_space<vmem>>, %arg3: memref<2560x1xf32, #tpu.memory_space<vmem>>, %arg4: memref<1x128xf32, #tpu.memory_space<vmem>>, %arg5: memref<128x128xf32, #tpu.memory_space<vmem>>, %arg6: memref<2560x128xf32, #tpu.memory_space<vmem>>, %arg7: memref<2560x128xf32, #tpu.memory_space<vmem>>) attributes {dimension_semantics = [#tpu.dimension_semantics<arbitrary>], iteration_bounds = array<i64: 4>, scalar_prefetch = 0 : i64, scratch_operands = 0 : i64, tpu.core_type = #tpu.core_type<tc>, window_params = [{transform_indices = @transform_0, window_bounds = array<i64: 2, 2560, 128>}, {transform_indices = @transform_1, window_bounds = array<i64: 2560, 1>}, {transform_indices = @transform_2, window_bounds = array<i64: 2560, 1>}, {pipeline_mode = #tpu.pipeline_mode<synchronous>, transform_indices = @transform_3, window_bounds = array<i64: 1, 128>}, {pipeline_mode = #tpu.pipeline_mode<synchronous>, transform_indices = @transform_4, window_bounds = array<i64: 128, 128>}, {transform_indices = @transform_5, window_bounds = array<i64: 2560, 128>}, {transform_indices = @transform_6, window_bounds = array<i64: 2560, 128>}]} {
    %get3A = arith.constant 0 : index
    %get3A_0 = arith.constant 0 : index
    %get3A_1 = vector.load %arg2[%get3A, %get3A_0] : memref<2560x1xf32, #tpu.memory_space<vmem>>, vector<2560x1xf32>
    %max3A = arith.constant 1.000000e+00 : f32
    %max3A_2 = vector.broadcast %max3A : f32 to vector<2560x1xf32>
    %max3A_3 = arith.maximumf %get3A_1, %max3A_2 : vector<2560x1xf32>
    %rsqrt3A = math.rsqrt %max3A_3 : vector<2560x1xf32>
    %get3A_4 = arith.constant 0 : index
    %get3A_5 = arith.constant 0 : index
    %get3A_6 = vector.load %arg3[%get3A_4, %get3A_5] : memref<2560x1xf32, #tpu.memory_space<vmem>>, vector<2560x1xf32>
    %max3A_7 = arith.constant 1.000000e+00 : f32
    %max3A_8 = vector.broadcast %max3A_7 : f32 to vector<2560x1xf32>
    %max3A_9 = arith.maximumf %get3A_6, %max3A_8 : vector<2560x1xf32>
    %rsqrt3A_10 = math.rsqrt %max3A_9 : vector<2560x1xf32>
    %get3A_11 = arith.constant 0 : index
    %get3A_12 = arith.constant 0 : index
    %get3A_13 = arith.constant 0 : index
    %get3A_14 = vector.load %arg1[%get3A_11, %get3A_12, %get3A_13] : memref<2x2560x128xf32, #tpu.memory_space<vmem>>, vector<1x2560x128xf32>
    %get3A_15 = vector.shape_cast %get3A_14 : vector<1x2560x128xf32> to vector<2560x128xf32>
    %get3A_16 = arith.constant 1 : index
    %get3A_17 = arith.constant 0 : index
    %get3A_18 = arith.constant 0 : index
    %get3A_19 = vector.load %arg1[%get3A_16, %get3A_17, %get3A_18] : memref<2x2560x128xf32, #tpu.memory_space<vmem>>, vector<1x2560x128xf32>
    %get3A_20 = vector.shape_cast %get3A_19 : vector<1x2560x128xf32> to vector<2560x128xf32>
    %add3A = arith.addf %get3A_15, %get3A_20 : vector<2560x128xf32>
    %mul3A = vector.broadcast %rsqrt3A : vector<2560x1xf32> to vector<2560x128xf32>
    %mul3A_21 = arith.mulf %add3A, %mul3A : vector<2560x128xf32>
    %get3A_22 = arith.constant 0 : index
    %get3A_23 = arith.constant 0 : index
    %get3A_24 = vector.load %arg4[%get3A_22, %get3A_23] : memref<1x128xf32, #tpu.memory_space<vmem>>, vector<1x128xf32>
    %add3A_25 = vector.broadcast %get3A_24 : vector<1x128xf32> to vector<2560x128xf32>
    %add3A_26 = arith.addf %mul3A_21, %add3A_25 : vector<2560x128xf32>
    %max3A_27 = arith.constant 0.000000e+00 : f32
    %max3A_28 = vector.broadcast %max3A_27 : f32 to vector<2560x128xf32>
    %max3A_29 = arith.maximumf %add3A_26, %max3A_28 : vector<2560x128xf32>
    %mul3A_30 = vector.broadcast %rsqrt3A_10 : vector<2560x1xf32> to vector<2560x128xf32>
    %mul3A_31 = arith.mulf %max3A_29, %mul3A_30 : vector<2560x128xf32>
    %get3A_32 = arith.constant 0 : index
    %get3A_33 = arith.constant 0 : index
    %get3A_34 = vector.load %arg5[%get3A_32, %get3A_33] : memref<128x128xf32, #tpu.memory_space<vmem>>, vector<128x128xf32>
    %dot_general3A = arith.constant dense<0.000000e+00> : vector<2560x128xf32>
    %dot_general3A_35 = tpu.matmul %mul3A_31, %get3A_34, %dot_general3A {dimension_numbers = #tpu.dot_dimension_numbers<[1], [0], [0], [1], [0, 0, 1, 1], [], []>, transpose_lhs_hint = false} : vector<2560x128xf32>, vector<128x128xf32>, vector<2560x128xf32> -> vector<2560x128xf32>
    %swap3A = arith.constant 0 : index
    %swap3A_36 = arith.constant 0 : index
    %swap3A_37 = vector.load %arg6[%swap3A, %swap3A_36] : memref<2560x128xf32, #tpu.memory_space<vmem>>, vector<2560x128xf32>
    tpu.vector_store %arg6[%swap3A, %swap3A_36], %dot_general3A_35 {strides = array<i32>} : memref<2560x128xf32, #tpu.memory_space<vmem>>, vector<2560x128xf32>,
    %swap3A_38 = arith.constant 0 : index
    %swap3A_39 = arith.constant 0 : index
    %swap3A_40 = vector.load %arg7[%swap3A_38, %swap3A_39] : memref<2560x128xf32, #tpu.memory_space<vmem>>, vector<2560x128xf32>
    tpu.vector_store %arg7[%swap3A_38, %swap3A_39], %dot_general3A_35 {strides = array<i32>} : memref<2560x128xf32, #tpu.memory_space<vmem>>, vector<2560x128xf32>,
    return
  }
  func.func @transform_0(%arg0: i32) -> (i32, i32, i32) {
    %c0_i32 = arith.constant 0 : i32
    %c0_i32_0 = arith.constant 0 : i32
    %c0_i32_1 = arith.constant 0 : i32
    return %c0_i32, %arg0, %c0_i32_0 : i32, i32, i32
  }
  func.func @transform_1(%arg0: i32) -> (i32, i32) {
    %c0_i32 = arith.constant 0 : i32
    %c0_i32_0 = arith.constant 0 : i32
    return %arg0, %c0_i32 : i32, i32
  }
  func.func @transform_2(%arg0: i32) -> (i32, i32) {
    %c0_i32 = arith.constant 0 : i32
    %c0_i32_0 = arith.constant 0 : i32
    return %arg0, %c0_i32 : i32, i32
  }
  func.func @transform_3(%arg0: i32) -> (i32, i32) {
    %c0_i32 = arith.constant 0 : i32
    %c0_i32_0 = arith.constant 0 : i32
    %c0_i32_1 = arith.constant 0 : i32
    return %c0_i32, %c0_i32_0 : i32, i32
  }
  func.func @transform_4(%arg0: i32) -> (i32, i32) {
    %c0_i32 = arith.constant 0 : i32
    %c0_i32_0 = arith.constant 0 : i32
    %c0_i32_1 = arith.constant 0 : i32
    return %c0_i32, %c0_i32_0 : i32, i32
  }
  func.func @transform_5(%arg0: i32) -> (i32, i32) {
    %c0_i32 = arith.constant 0 : i32
    %c0_i32_0 = arith.constant 0 : i32
    return %arg0, %c0_i32 : i32, i32
  }
  func.func @transform_6(%arg0: i32) -> (i32, i32) {
    %c0_i32 = arith.constant 0 : i32
    %c0_i32_0 = arith.constant 0 : i32
    return %arg0, %c0_i32 : i32, i32
  }
}

module attributes {stable_mosaic.version = 14 : i64} {
  func.func @_tc3_body(%arg0: i32, %arg1: memref<2x2560x128xf32, #tpu.memory_space<vmem>>, %arg2: memref<2560x1xf32, #tpu.memory_space<vmem>>, %arg3: memref<1x128xf32, #tpu.memory_space<vmem>>, %arg4: memref<2560x128xf32, #tpu.memory_space<vmem>>, %arg5: memref<2560x128xf32, #tpu.memory_space<vmem>>) attributes {dimension_semantics = [#tpu.dimension_semantics<arbitrary>], iteration_bounds = array<i64: 4>, scalar_prefetch = 0 : i64, scratch_operands = 0 : i64, tpu.core_type = #tpu.core_type<tc>, window_params = [{transform_indices = @transform_0, window_bounds = array<i64: 2, 2560, 128>}, {transform_indices = @transform_1, window_bounds = array<i64: 2560, 1>}, {pipeline_mode = #tpu.pipeline_mode<synchronous>, transform_indices = @transform_2, window_bounds = array<i64: 1, 128>}, {transform_indices = @transform_3, window_bounds = array<i64: 2560, 128>}, {transform_indices = @transform_4, window_bounds = array<i64: 2560, 128>}]} {
    %get3A = arith.constant 0 : index
    %get3A_0 = arith.constant 0 : index
    %get3A_1 = vector.load %arg2[%get3A, %get3A_0] : memref<2560x1xf32, #tpu.memory_space<vmem>>, vector<2560x1xf32>
    %max3A = arith.constant 1.000000e+00 : f32
    %max3A_2 = vector.broadcast %max3A : f32 to vector<2560x1xf32>
    %max3A_3 = arith.maximumf %get3A_1, %max3A_2 : vector<2560x1xf32>
    %rsqrt3A = math.rsqrt %max3A_3 : vector<2560x1xf32>
    %get3A_4 = arith.constant 0 : index
    %get3A_5 = arith.constant 0 : index
    %get3A_6 = arith.constant 0 : index
    %get3A_7 = vector.load %arg1[%get3A_4, %get3A_5, %get3A_6] : memref<2x2560x128xf32, #tpu.memory_space<vmem>>, vector<1x2560x128xf32>
    %get3A_8 = vector.shape_cast %get3A_7 : vector<1x2560x128xf32> to vector<2560x128xf32>
    %get3A_9 = arith.constant 1 : index
    %get3A_10 = arith.constant 0 : index
    %get3A_11 = arith.constant 0 : index
    %get3A_12 = vector.load %arg1[%get3A_9, %get3A_10, %get3A_11] : memref<2x2560x128xf32, #tpu.memory_space<vmem>>, vector<1x2560x128xf32>
    %get3A_13 = vector.shape_cast %get3A_12 : vector<1x2560x128xf32> to vector<2560x128xf32>
    %add3A = arith.addf %get3A_8, %get3A_13 : vector<2560x128xf32>
    %mul3A = vector.broadcast %rsqrt3A : vector<2560x1xf32> to vector<2560x128xf32>
    %mul3A_14 = arith.mulf %add3A, %mul3A : vector<2560x128xf32>
    %get3A_15 = arith.constant 0 : index
    %get3A_16 = arith.constant 0 : index
    %get3A_17 = vector.load %arg3[%get3A_15, %get3A_16] : memref<1x128xf32, #tpu.memory_space<vmem>>, vector<1x128xf32>
    %add3A_18 = vector.broadcast %get3A_17 : vector<1x128xf32> to vector<2560x128xf32>
    %add3A_19 = arith.addf %mul3A_14, %add3A_18 : vector<2560x128xf32>
    %get3A_20 = arith.constant 0 : index
    %get3A_21 = arith.constant 0 : index
    %get3A_22 = vector.load %arg4[%get3A_20, %get3A_21] : memref<2560x128xf32, #tpu.memory_space<vmem>>, vector<2560x128xf32>
    %add3A_23 = arith.addf %add3A_19, %get3A_22 : vector<2560x128xf32>
    %swap3A = arith.constant 0 : index
    %swap3A_24 = arith.constant 0 : index
    %swap3A_25 = vector.load %arg5[%swap3A, %swap3A_24] : memref<2560x128xf32, #tpu.memory_space<vmem>>, vector<2560x128xf32>
    tpu.vector_store %arg5[%swap3A, %swap3A_24], %add3A_23 {strides = array<i32>} : memref<2560x128xf32, #tpu.memory_space<vmem>>, vector<2560x128xf32>,
    return
  }
  func.func @transform_0(%arg0: i32) -> (i32, i32, i32) {
    %c0_i32 = arith.constant 0 : i32
    %c0_i32_0 = arith.constant 0 : i32
    %c0_i32_1 = arith.constant 0 : i32
    return %c0_i32, %arg0, %c0_i32_0 : i32, i32, i32
  }
  func.func @transform_1(%arg0: i32) -> (i32, i32) {
    %c0_i32 = arith.constant 0 : i32
    %c0_i32_0 = arith.constant 0 : i32
    return %arg0, %c0_i32 : i32, i32
  }
  func.func @transform_2(%arg0: i32) -> (i32, i32) {
    %c0_i32 = arith.constant 0 : i32
    %c0_i32_0 = arith.constant 0 : i32
    %c0_i32_1 = arith.constant 0 : i32
    return %c0_i32, %c0_i32_0 : i32, i32
  }
  func.func @transform_3(%arg0: i32) -> (i32, i32) {
    %c0_i32 = arith.constant 0 : i32
    %c0_i32_0 = arith.constant 0 : i32
    return %arg0, %c0_i32 : i32, i32
  }
  func.func @transform_4(%arg0: i32) -> (i32, i32) {
    %c0_i32 = arith.constant 0 : i32
    %c0_i32_0 = arith.constant 0 : i32
    return %arg0, %c0_i32 : i32, i32
  }
}

</mosaic_0001>

<sc_bundles>
// kernel: kernel.11.cloned.1.call-start
scs
__scs_entry_jumppad:
0x0: {  	(pc) =	sbr.rel $0x88, $3  }
0x1: {  	(tag) =	ssettag $0x0;
	lr =	simm.s32 $0x1  }
0x2: {  	[smem:$0x3F9B] =	sst lr;
	_ =	strace $0xD0000000  }
0x3: {  	_ = 	snop  }
0x4: {  	_ = 	snop  }
0x5: {  	_ = 	snop  }
0x6: {  	_ = 	snop  }
0x7: {  	_ = 	snop  }
__scs_overlays_trampoline_lowered:
0x8: {  	[smem:$0x3FAA] =	sst s0  }
0x9: {  	[smem:$0x3FAB] =	sst s1  }
0xa: {  	[smem:$0x3FAC] =	sst s2  }
0xb: {  	[smem:$0x3FAD] =	sst s3  }
0xc: {  	[smem:$0x3FAE] =	sst s4  }
0xd: {  	[smem:$0x3FAF] =	sst s5  }
0xe: {  	[smem:$0x3FB0] =	sst s6  }
0xf: {  	[smem:$0x3FB1] =	sst s7  }
0x10: {  	[smem:$0x3FB2] =	sst s8  }
0x11: {  	[smem:$0x3FB3] =	sst s9;
	s0 =	simm.s32 @!p0 $0x0  }
0x12: {  	s1 =	sld [smem:$0x3F99];
	s0 =	simm.s32 @p0 $0x1  }
0x13: {  	[smem:$0x3FB4] =	sst s0;
	s0 =	simm.s32 @!p1 $0x0  }
0x14: {  	s2 =	sld [smem:$0x3F98];
	s0 =	simm.s32 @p1 $0x1  }
0x15: {  	[smem:$0x3FB5] =	sst s0;
	s0 =	simm.s32 @!p2 $0x0  }
0x16: {  	s3 =	sld [smem:$0x3FDB];
	s0 =	simm.s32 @p2 $0x1  }
0x17: {  	s4 =	simm.s32 $0x1BF5;
	[smem:$0x3FB7] =	sst s0  }
0x18: {  	s0 =	sld [smem:$0x3F9A];
	_ =	swait.ge [sflag:s4], $0x0  }
0x19: {  	s7 =	sld [smem:$0x3F9B]  }
0x1a: {  	s8 =	sadd.s32 $0xFFFFE003, lr  }
0x1b: {  	s9 =	sadd.s32 $0xFFFFFEF7, lr;
	s5 =	simm.s32 $0xFFFFFFFF;
	p2 =	slt.u32 s8, $0xFFFFF086  }
0x1c: {  	p1 =	slt.u32 s9, $0xF7A;
	s5 =	simm.s32 @!p2 $0x0  }
0x1d: {  	s5 =	simm.s32 @p1 $0x1;
	p0 =	seq.s32 s7, s2  }
0x1e: {  	s7 =	smul.u32 @!p0 $0xF7A, s2;
	p2 =	seq.s32 @!p0 s5, $0x0  }
0x1f: {  	s9 =	smul.u32 $0xF7A, s1;
	s8 =	simm.s32 @!p0 $0x1BF5;
	p2 =	por !p2, p0  }
0x20: {  	[sflag:s8] =	ssyncset.s32 @!p0 $0xFFFFF086;
	s6 =	sadd.s32 @!p0 s3, s7;
	s7 =	simm.s32 @!p0 $0x108  }
0x21: {  	s3 =	sadd.s32 s3, s9;
	s6 =	sadd.s32 @!p0 $0x88, s6;
	s7 =	simm.s32 @p2 $0x1082  }
0x22: {  	[simem:s7], [sflag:s8] =	dma.local @!p0 [hbm:s6], $0xF7A  }
0x23: {  	s9 =	sor.u32 $0xD0000000, s2;
	s6 =	simm.s32 $0x108;
	_ =	swait.ge @!p0 [sflag:s8], $0x0  }
0x24: {  	s3 =	sadd.s32 $0x88, s3;
	s6 =	simm.s32 @!p1 $0x1082;
	[sflag:s4] =	ssyncset.s32 $0xFFFFF086  }
0x25: {  	[simem:s6], [sflag:s4] =	dma.local [hbm:s3], $0xF7A  }
0x26: {  	[smem:$0x3F9B] =	sst s1;
	(tag) =	ssettag s2;
	_ =	strace s9  }
0x27: {  	s1 =	sld [smem:$0x3FAB]  }
0x28: {  	s2 =	sld [smem:$0x3FAC]  }
0x29: {  	s4 =	sld [smem:$0x3FAE]  }
0x2a: {  	p0 =	seq.s32 s5, $0x0;
	s5 =	sld [smem:$0x3FAF]  }
0x2b: {  	s6 =	sld [smem:$0x3FB0]  }
0x2c: {  	s7 =	sld [smem:$0x3FB1]  }
0x2d: {  	s3 =	simm.s32 $0x108;
	s8 =	sld [smem:$0x3FB2]  }
0x2e: {  	s3 =	simm.s32 @!p0 $0x1082;
	s9 =	sld [smem:$0x3FB3]  }
0x2f: {  	lr =	sadd.s32 s0, s3;
	s0 =	sld [smem:$0x3FAA]  }
0x30: {  	s3 =	sld [smem:$0x3FAD]  }
0x31: {  	[smem:$0x3FB6] =	sst s10  }
0x32: {  	s10 =	sld [smem:$0x3FB4];
	_ =	sdelay $0x3  }
0x33: {  	p0 =	seq.s32 s10, $0x1;
	s10 =	sld [smem:$0x3FB6];
	_ =	sdelay $0x3  }
0x34: {  	[smem:$0x3FB6] =	sst s10  }
0x35: {  	s10 =	sld [smem:$0x3FB5];
	_ =	sdelay $0x3  }
0x36: {  	p1 =	seq.s32 s10, $0x1;
	s10 =	sld [smem:$0x3FB6];
	_ =	sdelay $0x3  }
0x37: {  	[smem:$0x3FB6] =	sst s10  }
0x38: {  	s10 =	sld [smem:$0x3FB7]  }
0x39: {  	_ = 	snop;
	(pc) =	sbr.ind lr, $3  }
0x3a: {  	_ = 	snop  }
0x3b: {  	_ = 	snop  }
0x3c: {  	p2 =	seq.s32 s10, $0x1;
	s10 =	sld [smem:$0x3FB6]  }
0x3d: {  	_ =	shalt  }
0x3e: {  	_ =	shalt  }
0x3f: {  	_ =	shalt  }
0x40: {  	_ =	shalt  }
0x41: {  	_ =	shalt  }
0x42: {  	_ =	shalt  }
0x43: {  	_ =	shalt  }
0x44: {  	_ =	shalt  }
0x45: {  	_ =	shalt  }
0x46: {  	_ =	shalt  }
0x47: {  	_ =	shalt  }
0x48: {  	_ =	shalt  }
0x49: {  	_ =	shalt  }
0x4a: {  	_ =	shalt  }
0x4b: {  	_ =	shalt  }
0x4c: {  	_ =	shalt  }
0x4d: {  	_ =	shalt  }
0x4e: {  	_ =	shalt  }
0x4f: {  	_ =	shalt  }
0x50: {  	_ =	shalt  }
0x51: {  	_ =	shalt  }
0x52: {  	_ =	shalt  }
0x53: {  	_ =	shalt  }
0x54: {  	_ =	shalt  }
0x55: {  	_ =	shalt  }
0x56: {  	_ =	shalt  }
0x57: {  	_ =	shalt  }
0x58: {  	_ =	shalt  }
0x59: {  	_ =	shalt  }
0x5a: {  	_ =	shalt  }
0x5b: {  	_ =	shalt  }
0x5c: {  	_ =	shalt  }
0x5d: {  	_ =	shalt  }
0x5e: {  	_ =	shalt  }
0x5f: {  	_ =	shalt  }
0x60: {  	_ =	shalt  }
0x61: {  	_ =	shalt  }
0x62: {  	_ =	shalt  }
0x63: {  	_ =	shalt  }
0x64: {  	_ =	shalt  }
0x65: {  	_ =	shalt  }
0x66: {  	_ =	shalt  }
0x67: {  	_ =	shalt  }
0x68: {  	_ =	shalt  }
0x69: {  	_ =	shalt  }
0x6a: {  	_ =	shalt  }
0x6b: {  	_ =	shalt  }
0x6c: {  	_ =	shalt  }
0x6d: {  	_ =	shalt  }
0x6e: {  	_ =	shalt  }
0x6f: {  	_ =	shalt  }
0x70: {  	_ =	shalt  }
0x71: {  	_ =	shalt  }
0x72: {  	_ =	shalt  }
0x73: {  	_ =	shalt  }
0x74: {  	_ =	shalt  }
0x75: {  	_ =	shalt  }
0x76: {  	_ =	shalt  }
0x77: {  	_ =	shalt  }
0x78: {  	_ =	shalt  }
0x79: {  	_ =	shalt  }
0x7a: {  	_ =	shalt  }
0x7b: {  	_ =	shalt  }
0x7c: {  	_ =	shalt  }
0x7d: {  	_ =	shalt  }
0x7e: {  	_ =	shalt  }
0x7f: {  	_ =	shalt  }
0x80: {  	_ =	shalt  }
0x81: {  	_ =	shalt  }
0x82: {  	_ =	shalt  }
0x83: {  	_ =	shalt  }
0x84: {  	_ =	shalt  }
0x85: {  	_ =	shalt  }
0x86: {  	_ =	shalt  }
0x87: {  	_ =	shalt  }
.Lfunc_end0:
.L_simem_size_0:
called_computation.1_lowered:
.L_overlay_start_0:
0x88: {  	s2 =	sld [smem:$0x3FD9]  }
0x89: {  	s3 =	sld [smem:$0x3FFE];
	_ =	sdelay $0x1  }
0x8a: {  	s1 =	srdreg.scid  }
0x8b: {  	s0 =	sand.u32 $0x1, s1  }
0x8c: {  	s17 =	sshll.u32 s0, $0xA;
	s2 =	sadd.s32 s3, s2  }
0x8d: {  	s2 =	sadd.s32 s2, s17  }
0x8e: {  	[smem:$0x3FC2] =	sst s2  }
0x8f: {  	_ = 	snop  }
0x90: {  	s2 =	sld [smem:$0x3FD0];
	(tm) =	ssettm $0x1  }
0x91: {  	s18 =	sld [smem:$0x3FFB];
	_ =	sdelay $0x3  }
0x92: {  	_ =	strace s18  }
0x93: {  	s3 =	sld [smem:$0x3FFC];
	_ =	sdelay $0x3  }
0x94: {  	_ =	strace s3  }
0x95: {  	s3 =	sld [smem:$0x3FFD];
	_ =	sdelay $0x3  }
0x96: {  	_ =	strace s3  }
0x97: {  	_ =	strace $0x8FFFFFFF  }
0x98: {  	s19 =	sld [smem:$0x3FDB];
	_ =	sdelay $0x1  }
0x99: {  	s4 =	simm.s32 $_scs_section_size  }
0x9a: {  	s5 =	simm.s32 $_size__tile_overlayer_lowered;
	s6 =	simm.s32 $_tile_overlayer_lowered  }
0x9b: {  	s22 =	simm.s32 $0x1BFF;
	s21 =	sshll.u32 s6, $0x1;
	s3 =	sadd.s32 s4, s19  }
0x9c: {  	s7 =	simm.s32 $0x0;
	s20 =	sshll.u32 s5, $0x1;
	s5 =	sadd.s32 s21, s3  }
0x9d: {  	[timem:s7], [sflag:s22] =	dma.local [hbm:s5], s20  }
0x9e: {  	_ =	swait.ge [sflag:s22], s20  }
0x9f: {  	s4 =	ssub.s32 $0x0, s20;
	[sflag:s22] =	ssyncset.done $0x0  }
0xa0: {  	[sflag:s22] =	ssyncadd.s32 s4;
	_ =	sdelay $0x1  }
0xa1: {  	s23 =	simm.s32 $0x1B8B  }
0xa2: {  	_ =	swait.ge [sflag:s23], $0x1  }
0xa3: {  	[sflag:s23] =	ssyncset.done $0x0  }
0xa4: {  	s25 =	simm.s32 $0x1B8E;
	s24 =	sld [smem:$0x3FFE];
	[sflag:s23] =	ssyncadd.s32 $0xFFFFFFFF  }
0xa5: {  	s26 =	simm.s32 $execute0_lowered;
	[smem:$0x3FD2] =	sst s25  }
0xa6: {  	s5 =	sshll.u32 s26, $0x1;
	_ =	strace $0x80000049;
	[dreg:$0x1] =	wrdreg $0xFFFFFFFF  }
0xa7: {  	s28 =	simm.s32 $_size_execute0_lowered;
	s3 =	sadd.s32 s3, s5;
	[dreg:$0x0] =	wrdreg $0x0  }
0xa8: {  	s5 =	sshll.u32 s28, $0x1;
	[dreg:$0x2] =	wrdreg s3  }
0xa9: {  	[dreg:$0x3] =	wrdreg s5  }
0xaa: {  	[dreg:$0x4] =	wrdreg $0xC0  }
0xab: {  	_ =	task [dreg:s7], $0x5FFFF  }
0xac: {  	[dreg:$0x1] =	wrdreg $0xFFFFFFFF  }
0xad: {  	[dreg:$0x0] =	wrdreg $0x60  }
0xae: {  	[dreg:$0x2] =	wrdreg s24  }
0xaf: {  	[dreg:$0x3] =	wrdreg s2  }
0xb0: {  	[dreg:$0x4] =	wrdreg $0xA0000  }
0xb1: {  	[dreg:$0x5] =	wrdreg $0x9  }
0xb2: {  	_ =	task.clear_ibuf [dreg:s7], $0x6FFFF;
	_ =	strace $0x90000049  }
0xb3: {  	s29 =	simm.s32 $0x9;
	_ =	strace $0x8000004B  }
0xb4: {  	_ =	swait.ge [sflag:s29], $0x1  }
0xb5: {  	[sflag:s29] =	ssyncadd.s32 $0xFFFFFFFF  }
0xb6: {  	_ =	strace $0x9000004B  }
0xb7: {  	_ =	sfence  }
0xb8: {  	s30 =	sld [smem:$0x0];
	_ =	sdelay $0x2  }
0xb9: {  	s31 =	sshll.u32 s1, $0xD;
	s1 =	sshrl.u32 s1, $0x2  }
0xba: {  	s3 =	sand.u32 $0x4000, s31;
	s1 =	sadd.s32 s1, s30  }
0xbb: {  	s0 =	sor.u32 s3, s0;
	s1 =	sshll.u32 s1, $0x11  }
0xbc: {  	s0 =	sor.u32 s1, s0  }
0xbd: {  	s0 =	sadd.s32 $0x8F2B, s0  }
0xbe: {  	[sflag:s0] =	ssyncadd.remote.s32 $0x1  }
0xbf: {  	_ =	sfence.sel $0xFFFF  }
0xc0: {  	[dreg:$0x0] =	wrdreg $0xFFFFFFFF;
	(pc) =	sbr.abs _section_cstart, $3  }
0xc1: {  	[dreg:$0x1] =	wrdreg $0xFFFFFFFF  }
0xc2: {  	_ =	task.clear_ibuf [dreg:s7], $0x2FFFF;
	_ =	strace $0x9FFFFFFF  }
0xc3: {  	(tm) =	ssettm $0x7FFFFFFF  }
tec
execute0_lowered:
.L_overlay_start_1:
0x0: {  	(tag) =	ssettag $0x1  }
0x1: {  	s6 =	rddreg [dreg:$0x0]  }
0x2: {  	s11 =	rddreg [dreg:$0x1];
	s0 =	srdreg.scid  }
0x3: {  	s2 =	rddreg [dreg:$0x2];
	s1 =	stileid.u32  }
0x4: {  	s3 =	simm.s32 $0x0;
	s17 =	simm.s32 $0x3000;
	s18 =	simm.s32 $0x80  }
0x5: {  	s12 =	sand.u32 $0x1, s0;
	s0 =	rddreg [dreg:$0x3];
	s5 =	smul.u32 $0x14000, s1  }
0x6: {  	s19 =	simm.s32 $0x1;
	[smem:$0x7FF] =	sst s3;
	s8 =	smul.u32 $0x50000, s1  }
0x7: {  	s20 =	sshll.u32 s1, $0x6;
	s4 =	smul.u32 $0x140000, s12;
	_ =	strace $0x8000004A  }
0x8: {  	s28 =	sshll.u32 s12, $0x4;
	s29 =	ssub.s32 $0x2, s12;
	p0 =	seq.s32 s12, $0x1  }
0x9: {  	s20 =	sor.u32 $0x1C02, s20;
	s9 =	sor.u32 s1, s28;
	s30 =	sshrl.u32 s8, $0x2  }
0xa: {  	s31 =	sshrl.u32 s29, $0x1;
	s5 =	sadd.s32 s5, s4;
	s4 =	sadd.s32 $0x2600, s6  }
0xb: {  	s14 =	smul.u32 $0xC00, s9;
	s15 =	ssub.s32 s29, s31;
	s7 =	sshrl.u32 s5, $0x3  }
.Ltmp0:
0xc: {  	s5 =	sadd.s32 $0x2A600, s6;
	s13 =	sadd.s32 s7, s6;
	(pc) =	sbr.rel .LBB2_1-.Ltmp0, $4  }
0xd: {  	s6 =	sadd.s32 s30, s2;
	s11 =	sadd.s32 s11, s14;
	s14 =	simm.s32 $0x6000  }
0xe: {  	s7 =	sadd.s32 $0x4000, s6;
	s8 =	sadd.s32 $0x8000, s6;
	s9 =	sadd.s32 $0xC000, s6  }
0xf: {  	s10 =	sadd.s32 $0x10000, s6;
	s12 =	sadd.s32 $0x52600, s13;
	s13 =	smax.u32 s15, $0x1  }
0x10: {  	v0 =	vimm.f32 $0.0e+00;
	s15 =	simm.s32 $0x2;
	s16 =	sadd.s32 $0x600, s11;
	s21 =	sshrl.u32 s6, $0x3  }
.LBB2_6:
0x11: {  	s22 =	sshra.s32 s22, $0x2;
	[sflag:s15] =	ssyncadd.s32 $0xFFFFC000  }
0x12: {  	[tilespmem:s14], [sflag:$0x1] =	stream.indirect.gather [hbm4b:s4+s18], $0x80, s22, s18, $0xb8;
	[tilespmem:$0x1E000] =	vst v63  }
0x13: {  	_ =	swait.ge [sflag:s19], $0x4000  }
0x14: {  	[sflag:s19] =	ssyncset.done $0x0  }
0x15: {  	s22 =	sadd.s32 $0x3000, s22;
	[sflag:s19] =	ssyncadd.s32 $0xFFFFC000  }
0x16: {  	[spmem:s2] =	stream.indirect.scatter.add.f32 [tilespmem:s14], [sflag:$0x2], $0x80, s22, s18, $0xb8;
	[tilespmem:$0x1E000] =	vst v63  }
0x17: {  	_ =	swait.ge [sflag:s15], $0x4000  }
0x18: {  	[sflag:s15] =	ssyncset.done $0x0  }
0x19: {  	[sflag:s15] =	ssyncadd.s32 $0xFFFFC000  }
.LBB2_10:
0x1a: {  	s3 =	sadd.s32 $0x1, s3  }
0x1b: {  	p1 =	sne.s32 s3, s13  }
.Ltmp1:
0x1c: {  	[bflag:$0x0] =	sbarrier.arrive $0xFFFF;
	(pc) =	sbr.rel @!p1 .LBB2_11-.Ltmp1, $4  }
0x1d: {  	[hbm:s12], [sflag:s20] =	dma.local [spmem:s21], $0x2800  }
0x1e: {  	_ =	swait.ge [sflag:s15], $0x2800  }
0x1f: {  	[sflag:s15] =	ssyncset.done $0x0  }
0x20: {  	[sflag:s15] =	ssyncadd.s32 $0xFFFFD800  }
.LBB2_1:
0x21: {  	s22 =	simm.s32 $0x0;
	s23 =	simm.s32 $0x200  }
.LBB2_2:
0x22: {  	p1 =	sne.s32 s23, $0xFE00;
	[tilespmem:s22+$0x6070] =	vst v0  }
0x23: {  	[tilespmem:s22+$0x6000] =	vst v0  }
0x24: {  	[tilespmem:s22+$0x6010] =	vst v0  }
.Ltmp2:
0x25: {  	[tilespmem:s22+$0x6020] =	vst v0;
	(pc) =	sbr.rel @p1 .LBB2_2-.Ltmp2, $4  }
0x26: {  	[tilespmem:s22+$0x6030] =	vst v0  }
0x27: {  	[tilespmem:s22+$0x6040] =	vst v0  }
0x28: {  	[tilespmem:s22+$0x6050] =	vst v0  }
0x29: {  	[tilespmem:s22+$0x6060] =	vst v0;
	s22 =	sshra.s32 s23, $0x2;
	s23 =	sadd.s32 $0x200, s23  }
0x2a: {  	[tilespmem:s22+$0x6070] =	vst v0  }
0x2b: {  	[tilespmem:s22+$0x6000] =	vst v0  }
0x2c: {  	[tilespmem:s22+$0x6010] =	vst v0  }
0x2d: {  	[tilespmem:s22+$0x6020] =	vst v0  }
0x2e: {  	[tilespmem:s22+$0x6030] =	vst v0  }
0x2f: {  	[tilespmem:s22+$0x6040] =	vst v0  }
0x30: {  	[tilespmem:s22+$0x6050] =	vst v0  }
0x31: {  	[tilespmem:s22+$0x6060] =	vst v0  }
0x32: {  	[spmem:s6] =	stream.linear.scatter [tilespmem:s14], [sflag:$0x2], $0x4000, $0x38;
	[tilespmem:$0x1E000] =	vst v63  }
0x33: {  	_ =	swait.ge [sflag:s15], $0x4000  }
0x34: {  	[sflag:s15] =	ssyncset.done $0x0  }
0x35: {  	[sflag:s15] =	ssyncadd.s32 $0xFFFFC000  }
0x36: {  	[spmem:s7] =	stream.linear.scatter [tilespmem:s14], [sflag:$0x2], $0x4000, $0x38;
	[tilespmem:$0x1E000] =	vst v63  }
0x37: {  	_ =	swait.ge [sflag:s15], $0x4000  }
0x38: {  	[sflag:s15] =	ssyncset.done $0x0  }
0x39: {  	[sflag:s15] =	ssyncadd.s32 $0xFFFFC000  }
0x3a: {  	[spmem:s8] =	stream.linear.scatter [tilespmem:s14], [sflag:$0x2], $0x4000, $0x38;
	[tilespmem:$0x1E000] =	vst v63  }
0x3b: {  	_ =	swait.ge [sflag:s15], $0x4000  }
0x3c: {  	[sflag:s15] =	ssyncset.done $0x0  }
0x3d: {  	[sflag:s15] =	ssyncadd.s32 $0xFFFFC000  }
0x3e: {  	[spmem:s9] =	stream.linear.scatter [tilespmem:s14], [sflag:$0x2], $0x4000, $0x38;
	[tilespmem:$0x1E000] =	vst v63  }
0x3f: {  	_ =	swait.ge [sflag:s15], $0x4000  }
0x40: {  	[sflag:s15] =	ssyncset.done $0x0  }
0x41: {  	[sflag:s15] =	ssyncadd.s32 $0xFFFFC000  }
0x42: {  	[spmem:s10] =	stream.linear.scatter [tilespmem:s14], [sflag:$0x2], $0x4000, $0x38;
	[tilespmem:$0x1E000] =	vst v63  }
0x43: {  	_ =	swait.ge [sflag:s15], $0x4000  }
0x44: {  	[sflag:s15] =	ssyncset.done $0x0  }
0x45: {  	[sflag:s15] =	ssyncadd.s32 $0xFFFFC000  }
0x46: {  	s31 =	simm.s32 $0x0;
	[bflag:$0x0] =	sbarrier.arrive $0xFFFF  }
0x47: {  	[tilespmem:s31], [sflag:$0x2] =	stream.linear.gather [hbm4b:s11+s31], $0x2F80, $0x38;
	[tilespmem:$0x1E000] =	vst v63  }
.Ltmp3:
0x48: {  	_ = 	snop;
	(pc) =	sbr.rel @!p0 .LBB2_4-.Ltmp3, $4  }
0x49: {  	[tilespmem:s17], [sflag:$0x2] =	stream.linear.gather [hbm4b:s16+s31], $0x2F80, $0x38;
	[tilespmem:$0x1E000] =	vst v63  }
0x4a: {  	_ =	swait.ge [sflag:s15], $0x5F00  }
0x4b: {  	[sflag:s15] =	ssyncset.done $0x0  }
0x4c: {  	s22 =	simm.s32 $0x0;
	[sflag:s15] =	ssyncadd.s32 $0xFFFFA100  }
0x4d: {  	[tilespmem:s14], [sflag:$0x1] =	stream.indirect.gather [hbm4b:s5+s18], $0x80, s22, s18, $0xb8;
	[tilespmem:$0x1E000] =	vst v63  }
0x4e: {  	_ =	swait.ge [sflag:s19], $0x4000  }
0x4f: {  	[sflag:s19] =	ssyncset.done $0x0  }
0x50: {  	s31 =	simm.s32 $0x3000;
	[sflag:s19] =	ssyncadd.s32 $0xFFFFC000  }
0x51: {  	[spmem:s2] =	stream.indirect.scatter.add.f32 [tilespmem:s14], [sflag:$0x2], $0x80, s31, s18, $0xb8;
	[tilespmem:$0x1E000] =	vst v63  }
0x52: {  	_ =	swait.ge [sflag:s15], $0x4000  }
0x53: {  	s22 =	simm.s32 $0x200;
	s23 =	simm.s32 $0x400;
	[sflag:s15] =	ssyncset.done $0x0  }
.LBB2_8:
0x54: {  	s24 =	sshra.s32 s22, $0x2  }
0x55: {  	[sflag:s15] =	ssyncadd.s32 $0xFFFFC000;
	s22 =	smov.u32 s23;
	s25 =	sadd.s32 $0x200, s23  }
0x56: {  	[tilespmem:s14], [sflag:$0x1] =	stream.indirect.gather [hbm4b:s5+s18], $0x80, s24, s18, $0xb8;
	[tilespmem:$0x1E000] =	vst v63  }
0x57: {  	p1 =	sne.s32 s23, $0x7A00;
	_ =	swait.ge [sflag:s19], $0x4000  }
.Ltmp4:
0x58: {  	[sflag:s19] =	ssyncset.done $0x0;
	(pc) =	sbr.rel @p1 .LBB2_8-.Ltmp4, $4  }
0x59: {  	s23 =	sadd.s32 $0x3000, s24;
	[sflag:s19] =	ssyncadd.s32 $0xFFFFC000  }
0x5a: {  	[spmem:s2] =	stream.indirect.scatter.add.f32 [tilespmem:s14], [sflag:$0x2], $0x80, s23, s18, $0xb8;
	[tilespmem:$0x1E000] =	vst v63  }
0x5b: {  	_ =	swait.ge [sflag:s15], $0x4000  }
0x5c: {  	s23 =	smov.u32 s25;
	[sflag:s15] =	ssyncset.done $0x0  }
0x5d: {  	s22 =	sshra.s32 s22, $0x2;
	[sflag:s15] =	ssyncadd.s32 $0xFFFFC000  }
0x5e: {  	[tilespmem:s14], [sflag:$0x1] =	stream.indirect.gather [hbm4b:s5+s18], $0x80, s22, s18, $0xb8;
	[tilespmem:$0x1E000] =	vst v63  }
0x5f: {  	_ =	swait.ge [sflag:s19], $0x4000  }
0x60: {  	[sflag:s19] =	ssyncset.done $0x0  }
.Ltmp5:
0x61: {  	s22 =	sadd.s32 $0x3000, s22;
	[sflag:s19] =	ssyncadd.s32 $0xFFFFC000;
	(pc) =	sbr.rel .LBB2_10-.Ltmp5, $4  }
0x62: {  	[spmem:s2] =	stream.indirect.scatter.add.f32 [tilespmem:s14], [sflag:$0x2], $0x80, s22, s18, $0xb8;
	[tilespmem:$0x1E000] =	vst v63  }
0x63: {  	_ =	swait.ge [sflag:s15], $0x4000  }
0x64: {  	[sflag:s15] =	ssyncset.done $0x0  }
0x65: {  	[sflag:s15] =	ssyncadd.s32 $0xFFFFC000  }
.LBB2_4:
0x66: {  	[tilespmem:s14], [sflag:$0x1] =	stream.indirect.gather [hbm4b:s4+s18], $0x80, s22, s18, $0xb8;
	[tilespmem:$0x1E000] =	vst v63  }
0x67: {  	_ =	swait.ge [sflag:s19], $0x4000  }
0x68: {  	[sflag:s19] =	ssyncset.done $0x0  }
0x69: {  	s31 =	simm.s32 $0x3000;
	[sflag:s19] =	ssyncadd.s32 $0xFFFFC000  }
0x6a: {  	[spmem:s2] =	stream.indirect.scatter.add.f32 [tilespmem:s14], [sflag:$0x2], $0x80, s31, s18, $0xb8;
	[tilespmem:$0x1E000] =	vst v63  }
0x6b: {  	_ =	swait.ge [sflag:s15], $0x4000  }
0x6c: {  	s22 =	simm.s32 $0x200;
	s23 =	simm.s32 $0x400;
	[sflag:s15] =	ssyncset.done $0x0  }
.LBB2_5:
0x6d: {  	s24 =	sshra.s32 s22, $0x2  }
0x6e: {  	[sflag:s15] =	ssyncadd.s32 $0xFFFFC000;
	s22 =	smov.u32 s23;
	s25 =	sadd.s32 $0x200, s23  }
0x6f: {  	[tilespmem:s14], [sflag:$0x1] =	stream.indirect.gather [hbm4b:s4+s18], $0x80, s24, s18, $0xb8;
	[tilespmem:$0x1E000] =	vst v63  }
0x70: {  	p1 =	seq.s32 s23, $0xBC00;
	_ =	swait.ge [sflag:s19], $0x4000  }
.Ltmp6:
0x71: {  	[sflag:s19] =	ssyncset.done $0x0;
	(pc) =	sbr.rel @!p1 .LBB2_5-.Ltmp6, $4  }
0x72: {  	s23 =	sadd.s32 $0x3000, s24;
	[sflag:s19] =	ssyncadd.s32 $0xFFFFC000  }
0x73: {  	[spmem:s2] =	stream.indirect.scatter.add.f32 [tilespmem:s14], [sflag:$0x2], $0x80, s23, s18, $0xb8;
	[tilespmem:$0x1E000] =	vst v63  }
0x74: {  	_ =	swait.ge [sflag:s15], $0x4000  }
0x75: {  	s23 =	smov.u32 s25;
	[sflag:s15] =	ssyncset.done $0x0  }
.Ltmp7:
0x76: {  	_ = 	snop;
	(pc) =	sbr.rel .LBB2_6-.Ltmp7, $1  }
0x77: {  	_ =	sdelay $0x3  }
.LBB2_11:
0x78: {  	_ =	sfence.sel $0x180000  }
0x79: {  	[bflag:$0x0] =	sbarrier.arrive $0xFFFF  }
0x7a: {  	p0 =	sne.s32 s1, $0x0;
	_ =	strace $0x9000004A  }
0x7b: {  	s0 =	sadd.s32 @!p0 $0x100000, s0;
	[bflag:$0x2] =	sbarrier.arrive $0xFFFF  }
0x7c: {  	[sflag:s0] =	ssyncadd.tile.s32 @!p0 $0x1;
	_ =	shalt  }
.Lfunc_end2:
_tile_overlayer_lowered:
.L_overlay_start_2:
0x7d: {  	(tag) =	ssettag $0x2  }
0x7e: {  	s0 =	rddreg [dreg:$0x0];
	s2 =	stileid.u32  }
0x7f: {  	s1 =	rddreg [dreg:$0x1];
	p0 =	sne.s32 s2, $0x0  }
0x80: {  	s3 =	rddreg [dreg:$0x2];
	[bflag:$0x3] =	sbarrier.arrive $0xFFFF;
	s2 =	simm.s32 @!p0 $0x1C02  }
0x81: {  	[timem:s3], [sflag:s2] =	dma.local @!p0 [hbm:s0], s1  }
0x82: {  	s0 =	simm.s32 @!p0 $0x2  }
0x83: {  	_ =	swait.ge @!p0 [sflag:s0], s1  }
0x84: {  	s1 =	ssub.s32 @!p0 $0x0, s1;
	[sflag:s0] =	ssyncset.done @!p0 $0x0  }
0x85: {  	[sflag:s0] =	ssyncadd.s32 @!p0 s1  }
0x86: {  	[bflag:$0x3] =	sbarrier.arrive $0xFFFF  }
0x87: {  	_ =	shalt  }

// kernel: kernel.14.cloned.1.call-start
scs
__scs_entry_jumppad:
0x0: {  	(pc) =	sbr.rel $0x88, $3  }
0x1: {  	(tag) =	ssettag $0x0;
	lr =	simm.s32 $0x1  }
0x2: {  	[smem:$0x3F9B] =	sst lr;
	_ =	strace $0xD0000000  }
0x3: {  	_ = 	snop  }
0x4: {  	_ = 	snop  }
0x5: {  	_ = 	snop  }
0x6: {  	_ = 	snop  }
0x7: {  	_ = 	snop  }
__scs_overlays_trampoline_lowered:
0x8: {  	[smem:$0x3FAA] =	sst s0  }
0x9: {  	[smem:$0x3FAB] =	sst s1  }
0xa: {  	[smem:$0x3FAC] =	sst s2  }
0xb: {  	[smem:$0x3FAD] =	sst s3  }
0xc: {  	[smem:$0x3FAE] =	sst s4  }
0xd: {  	[smem:$0x3FAF] =	sst s5  }
0xe: {  	[smem:$0x3FB0] =	sst s6  }
0xf: {  	[smem:$0x3FB1] =	sst s7  }
0x10: {  	[smem:$0x3FB2] =	sst s8  }
0x11: {  	[smem:$0x3FB3] =	sst s9;
	s0 =	simm.s32 @!p0 $0x0  }
0x12: {  	s1 =	sld [smem:$0x3F99];
	s0 =	simm.s32 @p0 $0x1  }
0x13: {  	[smem:$0x3FB4] =	sst s0;
	s0 =	simm.s32 @!p1 $0x0  }
0x14: {  	s2 =	sld [smem:$0x3F98];
	s0 =	simm.s32 @p1 $0x1  }
0x15: {  	[smem:$0x3FB5] =	sst s0;
	s0 =	simm.s32 @!p2 $0x0  }
0x16: {  	s3 =	sld [smem:$0x3FDB];
	s0 =	simm.s32 @p2 $0x1  }
0x17: {  	s4 =	simm.s32 $0x1BF5;
	[smem:$0x3FB7] =	sst s0  }
0x18: {  	s0 =	sld [smem:$0x3F9A];
	_ =	swait.ge [sflag:s4], $0x0  }
0x19: {  	s7 =	sld [smem:$0x3F9B]  }
0x1a: {  	s8 =	sadd.s32 $0xFFFFE003, lr  }
0x1b: {  	s9 =	sadd.s32 $0xFFFFFEF7, lr;
	s5 =	simm.s32 $0xFFFFFFFF;
	p2 =	slt.u32 s8, $0xFFFFF086  }
0x1c: {  	p1 =	slt.u32 s9, $0xF7A;
	s5 =	simm.s32 @!p2 $0x0  }
0x1d: {  	s5 =	simm.s32 @p1 $0x1;
	p0 =	seq.s32 s7, s2  }
0x1e: {  	s7 =	smul.u32 @!p0 $0xF7A, s2;
	p2 =	seq.s32 @!p0 s5, $0x0  }
0x1f: {  	s9 =	smul.u32 $0xF7A, s1;
	s8 =	simm.s32 @!p0 $0x1BF5;
	p2 =	por !p2, p0  }
0x20: {  	[sflag:s8] =	ssyncset.s32 @!p0 $0xFFFFF086;
	s6 =	sadd.s32 @!p0 s3, s7;
	s7 =	simm.s32 @!p0 $0x108  }
0x21: {  	s3 =	sadd.s32 s3, s9;
	s6 =	sadd.s32 @!p0 $0x88, s6;
	s7 =	simm.s32 @p2 $0x1082  }
0x22: {  	[simem:s7], [sflag:s8] =	dma.local @!p0 [hbm:s6], $0xF7A  }
0x23: {  	s9 =	sor.u32 $0xD0000000, s2;
	s6 =	simm.s32 $0x108;
	_ =	swait.ge @!p0 [sflag:s8], $0x0  }
0x24: {  	s3 =	sadd.s32 $0x88, s3;
	s6 =	simm.s32 @!p1 $0x1082;
	[sflag:s4] =	ssyncset.s32 $0xFFFFF086  }
0x25: {  	[simem:s6], [sflag:s4] =	dma.local [hbm:s3], $0xF7A  }
0x26: {  	[smem:$0x3F9B] =	sst s1;
	(tag) =	ssettag s2;
	_ =	strace s9  }
0x27: {  	s1 =	sld [smem:$0x3FAB]  }
0x28: {  	s2 =	sld [smem:$0x3FAC]  }
0x29: {  	s4 =	sld [smem:$0x3FAE]  }
0x2a: {  	p0 =	seq.s32 s5, $0x0;
	s5 =	sld [smem:$0x3FAF]  }
0x2b: {  	s6 =	sld [smem:$0x3FB0]  }
0x2c: {  	s7 =	sld [smem:$0x3FB1]  }
0x2d: {  	s3 =	simm.s32 $0x108;
	s8 =	sld [smem:$0x3FB2]  }
0x2e: {  	s3 =	simm.s32 @!p0 $0x1082;
	s9 =	sld [smem:$0x3FB3]  }
0x2f: {  	lr =	sadd.s32 s0, s3;
	s0 =	sld [smem:$0x3FAA]  }
0x30: {  	s3 =	sld [smem:$0x3FAD]  }
0x31: {  	[smem:$0x3FB6] =	sst s10  }
0x32: {  	s10 =	sld [smem:$0x3FB4];
	_ =	sdelay $0x3  }
0x33: {  	p0 =	seq.s32 s10, $0x1;
	s10 =	sld [smem:$0x3FB6];
	_ =	sdelay $0x3  }
0x34: {  	[smem:$0x3FB6] =	sst s10  }
0x35: {  	s10 =	sld [smem:$0x3FB5];
	_ =	sdelay $0x3  }
0x36: {  	p1 =	seq.s32 s10, $0x1;
	s10 =	sld [smem:$0x3FB6];
	_ =	sdelay $0x3  }
0x37: {  	[smem:$0x3FB6] =	sst s10  }
0x38: {  	s10 =	sld [smem:$0x3FB7]  }
0x39: {  	_ = 	snop;
	(pc) =	sbr.ind lr, $3  }
0x3a: {  	_ = 	snop  }
0x3b: {  	_ = 	snop  }
0x3c: {  	p2 =	seq.s32 s10, $0x1;
	s10 =	sld [smem:$0x3FB6]  }
0x3d: {  	_ =	shalt  }
0x3e: {  	_ =	shalt  }
0x3f: {  	_ =	shalt  }
0x40: {  	_ =	shalt  }
0x41: {  	_ =	shalt  }
0x42: {  	_ =	shalt  }
0x43: {  	_ =	shalt  }
0x44: {  	_ =	shalt  }
0x45: {  	_ =	shalt  }
0x46: {  	_ =	shalt  }
0x47: {  	_ =	shalt  }
0x48: {  	_ =	shalt  }
0x49: {  	_ =	shalt  }
0x4a: {  	_ =	shalt  }
0x4b: {  	_ =	shalt  }
0x4c: {  	_ =	shalt  }
0x4d: {  	_ =	shalt  }
0x4e: {  	_ =	shalt  }
0x4f: {  	_ =	shalt  }
0x50: {  	_ =	shalt  }
0x51: {  	_ =	shalt  }
0x52: {  	_ =	shalt  }
0x53: {  	_ =	shalt  }
0x54: {  	_ =	shalt  }
0x55: {  	_ =	shalt  }
0x56: {  	_ =	shalt  }
0x57: {  	_ =	shalt  }
0x58: {  	_ =	shalt  }
0x59: {  	_ =	shalt  }
0x5a: {  	_ =	shalt  }
0x5b: {  	_ =	shalt  }
0x5c: {  	_ =	shalt  }
0x5d: {  	_ =	shalt  }
0x5e: {  	_ =	shalt  }
0x5f: {  	_ =	shalt  }
0x60: {  	_ =	shalt  }
0x61: {  	_ =	shalt  }
0x62: {  	_ =	shalt  }
0x63: {  	_ =	shalt  }
0x64: {  	_ =	shalt  }
0x65: {  	_ =	shalt  }
0x66: {  	_ =	shalt  }
0x67: {  	_ =	shalt  }
0x68: {  	_ =	shalt  }
0x69: {  	_ =	shalt  }
0x6a: {  	_ =	shalt  }
0x6b: {  	_ =	shalt  }
0x6c: {  	_ =	shalt  }
0x6d: {  	_ =	shalt  }
0x6e: {  	_ =	shalt  }
0x6f: {  	_ =	shalt  }
0x70: {  	_ =	shalt  }
0x71: {  	_ =	shalt  }
0x72: {  	_ =	shalt  }
0x73: {  	_ =	shalt  }
0x74: {  	_ =	shalt  }
0x75: {  	_ =	shalt  }
0x76: {  	_ =	shalt  }
0x77: {  	_ =	shalt  }
0x78: {  	_ =	shalt  }
0x79: {  	_ =	shalt  }
0x7a: {  	_ =	shalt  }
0x7b: {  	_ =	shalt  }
0x7c: {  	_ =	shalt  }
0x7d: {  	_ =	shalt  }
0x7e: {  	_ =	shalt  }
0x7f: {  	_ =	shalt  }
0x80: {  	_ =	shalt  }
0x81: {  	_ =	shalt  }
0x82: {  	_ =	shalt  }
0x83: {  	_ =	shalt  }
0x84: {  	_ =	shalt  }
0x85: {  	_ =	shalt  }
0x86: {  	_ =	shalt  }
0x87: {  	_ =	shalt  }
.Lfunc_end0:
.L_simem_size_0:
called_computation.2_lowered:
.L_overlay_start_0:
0x88: {  	s2 =	sld [smem:$0x3FD9]  }
0x89: {  	s3 =	sld [smem:$0x3FFE];
	_ =	sdelay $0x1  }
0x8a: {  	s1 =	srdreg.scid  }
0x8b: {  	s0 =	sand.u32 $0x1, s1  }
0x8c: {  	s17 =	sshll.u32 s0, $0xA;
	s2 =	sadd.s32 s3, s2  }
0x8d: {  	s2 =	sadd.s32 s2, s17  }
0x8e: {  	[smem:$0x3FC2] =	sst s2  }
0x8f: {  	_ = 	snop  }
0x90: {  	s2 =	sld [smem:$0x3FD0];
	(tm) =	ssettm $0x1  }
0x91: {  	s18 =	sld [smem:$0x3FFB];
	_ =	sdelay $0x3  }
0x92: {  	_ =	strace s18  }
0x93: {  	s3 =	sld [smem:$0x3FFC];
	_ =	sdelay $0x3  }
0x94: {  	_ =	strace s3  }
0x95: {  	s3 =	sld [smem:$0x3FFD];
	_ =	sdelay $0x3  }
0x96: {  	_ =	strace s3  }
0x97: {  	_ =	strace $0x8FFFFFFF  }
0x98: {  	s19 =	sld [smem:$0x3FDB];
	_ =	sdelay $0x1  }
0x99: {  	s4 =	simm.s32 $_scs_section_size  }
0x9a: {  	s5 =	simm.s32 $_size__tile_overlayer_lowered;
	s6 =	simm.s32 $_tile_overlayer_lowered  }
0x9b: {  	s22 =	simm.s32 $0x1BFF;
	s21 =	sshll.u32 s6, $0x1;
	s3 =	sadd.s32 s4, s19  }
0x9c: {  	s7 =	simm.s32 $0x0;
	s20 =	sshll.u32 s5, $0x1;
	s5 =	sadd.s32 s21, s3  }
0x9d: {  	[timem:s7], [sflag:s22] =	dma.local [hbm:s5], s20  }
0x9e: {  	_ =	swait.ge [sflag:s22], s20  }
0x9f: {  	s4 =	ssub.s32 $0x0, s20;
	[sflag:s22] =	ssyncset.done $0x0  }
0xa0: {  	[sflag:s22] =	ssyncadd.s32 s4;
	_ =	sdelay $0x1  }
0xa1: {  	s23 =	simm.s32 $0x1B8B  }
0xa2: {  	_ =	swait.ge [sflag:s23], $0x1  }
0xa3: {  	[sflag:s23] =	ssyncset.done $0x0  }
0xa4: {  	s25 =	simm.s32 $0x1B8E;
	s24 =	sld [smem:$0x3FFE];
	[sflag:s23] =	ssyncadd.s32 $0xFFFFFFFF  }
0xa5: {  	s26 =	simm.s32 $execute0_lowered;
	[smem:$0x3FD2] =	sst s25  }
0xa6: {  	s5 =	sshll.u32 s26, $0x1;
	_ =	strace $0x8000004C;
	[dreg:$0x1] =	wrdreg $0xFFFFFFFF  }
0xa7: {  	s28 =	simm.s32 $_size_execute0_lowered;
	s3 =	sadd.s32 s3, s5;
	[dreg:$0x0] =	wrdreg $0x0  }
0xa8: {  	s5 =	sshll.u32 s28, $0x1;
	[dreg:$0x2] =	wrdreg s3  }
0xa9: {  	[dreg:$0x3] =	wrdreg s5  }
0xaa: {  	[dreg:$0x4] =	wrdreg $0xC0  }
0xab: {  	_ =	task [dreg:s7], $0x5FFFF  }
0xac: {  	[dreg:$0x1] =	wrdreg $0xFFFFFFFF  }
0xad: {  	[dreg:$0x0] =	wrdreg $0x60  }
0xae: {  	[dreg:$0x2] =	wrdreg s24  }
0xaf: {  	[dreg:$0x3] =	wrdreg s2  }
0xb0: {  	[dreg:$0x4] =	wrdreg $0xA0000  }
0xb1: {  	[dreg:$0x5] =	wrdreg $0x9  }
0xb2: {  	_ =	task.clear_ibuf [dreg:s7], $0x6FFFF;
	_ =	strace $0x9000004C  }
0xb3: {  	s29 =	simm.s32 $0x9;
	_ =	strace $0x8000004E  }
0xb4: {  	_ =	swait.ge [sflag:s29], $0x1  }
0xb5: {  	[sflag:s29] =	ssyncadd.s32 $0xFFFFFFFF  }
0xb6: {  	_ =	strace $0x9000004E  }
0xb7: {  	_ =	sfence  }
0xb8: {  	s30 =	sld [smem:$0x0];
	_ =	sdelay $0x2  }
0xb9: {  	s31 =	sshll.u32 s1, $0xD;
	s1 =	sshrl.u32 s1, $0x2  }
0xba: {  	s3 =	sand.u32 $0x4000, s31;
	s1 =	sadd.s32 s1, s30  }
0xbb: {  	s0 =	sor.u32 s3, s0;
	s1 =	sshll.u32 s1, $0x11  }
0xbc: {  	s0 =	sor.u32 s1, s0  }
0xbd: {  	s0 =	sadd.s32 $0x8F2B, s0  }
0xbe: {  	[sflag:s0] =	ssyncadd.remote.s32 $0x1  }
0xbf: {  	_ =	sfence.sel $0xFFFF  }
0xc0: {  	[dreg:$0x0] =	wrdreg $0xFFFFFFFF;
	(pc) =	sbr.abs _section_cstart, $3  }
0xc1: {  	[dreg:$0x1] =	wrdreg $0xFFFFFFFF  }
0xc2: {  	_ =	task.clear_ibuf [dreg:s7], $0x2FFFF;
	_ =	strace $0x9FFFFFFF  }
0xc3: {  	(tm) =	ssettm $0x7FFFFFFF  }
tec
execute0_lowered:
.L_overlay_start_1:
0x0: {  	(tag) =	ssettag $0x1  }
0x1: {  	s6 =	rddreg [dreg:$0x0]  }
0x2: {  	s11 =	rddreg [dreg:$0x1];
	s0 =	srdreg.scid  }
0x3: {  	s2 =	rddreg [dreg:$0x2];
	s1 =	stileid.u32  }
0x4: {  	s3 =	simm.s32 $0x0;
	s17 =	simm.s32 $0x3000;
	s18 =	simm.s32 $0x80  }
0x5: {  	s12 =	sand.u32 $0x1, s0;
	s0 =	rddreg [dreg:$0x3];
	s5 =	smul.u32 $0x14000, s1  }
0x6: {  	s19 =	simm.s32 $0x1;
	[smem:$0x7FF] =	sst s3;
	s8 =	smul.u32 $0x50000, s1  }
0x7: {  	s20 =	sshll.u32 s1, $0x6;
	s4 =	smul.u32 $0x140000, s12;
	_ =	strace $0x8000004D  }
0x8: {  	s28 =	sshll.u32 s12, $0x4;
	s29 =	ssub.s32 $0x2, s12;
	p0 =	seq.s32 s12, $0x1  }
0x9: {  	s20 =	sor.u32 $0x1C02, s20;
	s9 =	sor.u32 s1, s28;
	s30 =	sshrl.u32 s8, $0x2  }
0xa: {  	s31 =	sshrl.u32 s29, $0x1;
	s5 =	sadd.s32 s5, s4;
	s4 =	sadd.s32 $0x2600, s6  }
0xb: {  	s14 =	smul.u32 $0xC00, s9;
	s15 =	ssub.s32 s29, s31;
	s7 =	sshrl.u32 s5, $0x3  }
.Ltmp0:
0xc: {  	s5 =	sadd.s32 $0x2A600, s6;
	s13 =	sadd.s32 s7, s6;
	(pc) =	sbr.rel .LBB2_1-.Ltmp0, $4  }
0xd: {  	s6 =	sadd.s32 s30, s2;
	s11 =	sadd.s32 s11, s14;
	s14 =	simm.s32 $0x6000  }
0xe: {  	s7 =	sadd.s32 $0x4000, s6;
	s8 =	sadd.s32 $0x8000, s6;
	s9 =	sadd.s32 $0xC000, s6  }
0xf: {  	s10 =	sadd.s32 $0x10000, s6;
	s12 =	sadd.s32 $0x52600, s13;
	s13 =	smax.u32 s15, $0x1  }
0x10: {  	v0 =	vimm.f32 $0.0e+00;
	s15 =	simm.s32 $0x2;
	s16 =	sadd.s32 $0x600, s11;
	s21 =	sshrl.u32 s6, $0x3  }
.LBB2_6:
0x11: {  	s22 =	sshra.s32 s22, $0x2;
	[sflag:s15] =	ssyncadd.s32 $0xFFFFC000  }
0x12: {  	[tilespmem:s14], [sflag:$0x1] =	stream.indirect.gather [hbm4b:s4+s18], $0x80, s22, s18, $0xb8;
	[tilespmem:$0x1E000] =	vst v63  }
0x13: {  	_ =	swait.ge [sflag:s19], $0x4000  }
0x14: {  	[sflag:s19] =	ssyncset.done $0x0  }
0x15: {  	s22 =	sadd.s32 $0x3000, s22;
	[sflag:s19] =	ssyncadd.s32 $0xFFFFC000  }
0x16: {  	[spmem:s2] =	stream.indirect.scatter.add.f32 [tilespmem:s14], [sflag:$0x2], $0x80, s22, s18, $0xb8;
	[tilespmem:$0x1E000] =	vst v63  }
0x17: {  	_ =	swait.ge [sflag:s15], $0x4000  }
0x18: {  	[sflag:s15] =	ssyncset.done $0x0  }
0x19: {  	[sflag:s15] =	ssyncadd.s32 $0xFFFFC000  }
.LBB2_10:
0x1a: {  	s3 =	sadd.s32 $0x1, s3  }
0x1b: {  	p1 =	sne.s32 s3, s13  }
.Ltmp1:
0x1c: {  	[bflag:$0x0] =	sbarrier.arrive $0xFFFF;
	(pc) =	sbr.rel @!p1 .LBB2_11-.Ltmp1, $4  }
0x1d: {  	[hbm:s12], [sflag:s20] =	dma.local [spmem:s21], $0x2800  }
0x1e: {  	_ =	swait.ge [sflag:s15], $0x2800  }
0x1f: {  	[sflag:s15] =	ssyncset.done $0x0  }
0x20: {  	[sflag:s15] =	ssyncadd.s32 $0xFFFFD800  }
.LBB2_1:
0x21: {  	s22 =	simm.s32 $0x0;
	s23 =	simm.s32 $0x200  }
.LBB2_2:
0x22: {  	p1 =	sne.s32 s23, $0xFE00;
	[tilespmem:s22+$0x6070] =	vst v0  }
0x23: {  	[tilespmem:s22+$0x6000] =	vst v0  }
0x24: {  	[tilespmem:s22+$0x6010] =	vst v0  }
.Ltmp2:
0x25: {  	[tilespmem:s22+$0x6020] =	vst v0;
	(pc) =	sbr.rel @p1 .LBB2_2-.Ltmp2, $4  }
0x26: {  	[tilespmem:s22+$0x6030] =	vst v0  }
0x27: {  	[tilespmem:s22+$0x6040] =	vst v0  }
0x28: {  	[tilespmem:s22+$0x6050] =	vst v0  }
0x29: {  	[tilespmem:s22+$0x6060] =	vst v0;
	s22 =	sshra.s32 s23, $0x2;
	s23 =	sadd.s32 $0x200, s23  }
0x2a: {  	[tilespmem:s22+$0x6070] =	vst v0  }
0x2b: {  	[tilespmem:s22+$0x6000] =	vst v0  }
0x2c: {  	[tilespmem:s22+$0x6010] =	vst v0  }
0x2d: {  	[tilespmem:s22+$0x6020] =	vst v0  }
0x2e: {  	[tilespmem:s22+$0x6030] =	vst v0  }
0x2f: {  	[tilespmem:s22+$0x6040] =	vst v0  }
0x30: {  	[tilespmem:s22+$0x6050] =	vst v0  }
0x31: {  	[tilespmem:s22+$0x6060] =	vst v0  }
0x32: {  	[spmem:s6] =	stream.linear.scatter [tilespmem:s14], [sflag:$0x2], $0x4000, $0x38;
	[tilespmem:$0x1E000] =	vst v63  }
0x33: {  	_ =	swait.ge [sflag:s15], $0x4000  }
0x34: {  	[sflag:s15] =	ssyncset.done $0x0  }
0x35: {  	[sflag:s15] =	ssyncadd.s32 $0xFFFFC000  }
0x36: {  	[spmem:s7] =	stream.linear.scatter [tilespmem:s14], [sflag:$0x2], $0x4000, $0x38;
	[tilespmem:$0x1E000] =	vst v63  }
0x37: {  	_ =	swait.ge [sflag:s15], $0x4000  }
0x38: {  	[sflag:s15] =	ssyncset.done $0x0  }
0x39: {  	[sflag:s15] =	ssyncadd.s32 $0xFFFFC000  }
0x3a: {  	[spmem:s8] =	stream.linear.scatter [tilespmem:s14], [sflag:$0x2], $0x4000, $0x38;
	[tilespmem:$0x1E000] =	vst v63  }
0x3b: {  	_ =	swait.ge [sflag:s15], $0x4000  }
0x3c: {  	[sflag:s15] =	ssyncset.done $0x0  }
0x3d: {  	[sflag:s15] =	ssyncadd.s32 $0xFFFFC000  }
0x3e: {  	[spmem:s9] =	stream.linear.scatter [tilespmem:s14], [sflag:$0x2], $0x4000, $0x38;
	[tilespmem:$0x1E000] =	vst v63  }
0x3f: {  	_ =	swait.ge [sflag:s15], $0x4000  }
0x40: {  	[sflag:s15] =	ssyncset.done $0x0  }
0x41: {  	[sflag:s15] =	ssyncadd.s32 $0xFFFFC000  }
0x42: {  	[spmem:s10] =	stream.linear.scatter [tilespmem:s14], [sflag:$0x2], $0x4000, $0x38;
	[tilespmem:$0x1E000] =	vst v63  }
0x43: {  	_ =	swait.ge [sflag:s15], $0x4000  }
0x44: {  	[sflag:s15] =	ssyncset.done $0x0  }
0x45: {  	[sflag:s15] =	ssyncadd.s32 $0xFFFFC000  }
0x46: {  	s31 =	simm.s32 $0x0;
	[bflag:$0x0] =	sbarrier.arrive $0xFFFF  }
0x47: {  	[tilespmem:s31], [sflag:$0x2] =	stream.linear.gather [hbm4b:s11+s31], $0x2F80, $0x38;
	[tilespmem:$0x1E000] =	vst v63  }
.Ltmp3:
0x48: {  	_ = 	snop;
	(pc) =	sbr.rel @!p0 .LBB2_4-.Ltmp3, $4  }
0x49: {  	[tilespmem:s17], [sflag:$0x2] =	stream.linear.gather [hbm4b:s16+s31], $0x2F80, $0x38;
	[tilespmem:$0x1E000] =	vst v63  }
0x4a: {  	_ =	swait.ge [sflag:s15], $0x5F00  }
0x4b: {  	[sflag:s15] =	ssyncset.done $0x0  }
0x4c: {  	s22 =	simm.s32 $0x0;
	[sflag:s15] =	ssyncadd.s32 $0xFFFFA100  }
0x4d: {  	[tilespmem:s14], [sflag:$0x1] =	stream.indirect.gather [hbm4b:s5+s18], $0x80, s22, s18, $0xb8;
	[tilespmem:$0x1E000] =	vst v63  }
0x4e: {  	_ =	swait.ge [sflag:s19], $0x4000  }
0x4f: {  	[sflag:s19] =	ssyncset.done $0x0  }
0x50: {  	s31 =	simm.s32 $0x3000;
	[sflag:s19] =	ssyncadd.s32 $0xFFFFC000  }
0x51: {  	[spmem:s2] =	stream.indirect.scatter.add.f32 [tilespmem:s14], [sflag:$0x2], $0x80, s31, s18, $0xb8;
	[tilespmem:$0x1E000] =	vst v63  }
0x52: {  	_ =	swait.ge [sflag:s15], $0x4000  }
0x53: {  	s22 =	simm.s32 $0x200;
	s23 =	simm.s32 $0x400;
	[sflag:s15] =	ssyncset.done $0x0  }
.LBB2_8:
0x54: {  	s24 =	sshra.s32 s22, $0x2  }
0x55: {  	[sflag:s15] =	ssyncadd.s32 $0xFFFFC000;
	s22 =	smov.u32 s23;
	s25 =	sadd.s32 $0x200, s23  }
0x56: {  	[tilespmem:s14], [sflag:$0x1] =	stream.indirect.gather [hbm4b:s5+s18], $0x80, s24, s18, $0xb8;
	[tilespmem:$0x1E000] =	vst v63  }
0x57: {  	p1 =	sne.s32 s23, $0x7A00;
	_ =	swait.ge [sflag:s19], $0x4000  }
.Ltmp4:
0x58: {  	[sflag:s19] =	ssyncset.done $0x0;
	(pc) =	sbr.rel @p1 .LBB2_8-.Ltmp4, $4  }
0x59: {  	s23 =	sadd.s32 $0x3000, s24;
	[sflag:s19] =	ssyncadd.s32 $0xFFFFC000  }
0x5a: {  	[spmem:s2] =	stream.indirect.scatter.add.f32 [tilespmem:s14], [sflag:$0x2], $0x80, s23, s18, $0xb8;
	[tilespmem:$0x1E000] =	vst v63  }
0x5b: {  	_ =	swait.ge [sflag:s15], $0x4000  }
0x5c: {  	s23 =	smov.u32 s25;
	[sflag:s15] =	ssyncset.done $0x0  }
0x5d: {  	s22 =	sshra.s32 s22, $0x2;
	[sflag:s15] =	ssyncadd.s32 $0xFFFFC000  }
0x5e: {  	[tilespmem:s14], [sflag:$0x1] =	stream.indirect.gather [hbm4b:s5+s18], $0x80, s22, s18, $0xb8;
	[tilespmem:$0x1E000] =	vst v63  }
0x5f: {  	_ =	swait.ge [sflag:s19], $0x4000  }
0x60: {  	[sflag:s19] =	ssyncset.done $0x0  }
.Ltmp5:
0x61: {  	s22 =	sadd.s32 $0x3000, s22;
	[sflag:s19] =	ssyncadd.s32 $0xFFFFC000;
	(pc) =	sbr.rel .LBB2_10-.Ltmp5, $4  }
0x62: {  	[spmem:s2] =	stream.indirect.scatter.add.f32 [tilespmem:s14], [sflag:$0x2], $0x80, s22, s18, $0xb8;
	[tilespmem:$0x1E000] =	vst v63  }
0x63: {  	_ =	swait.ge [sflag:s15], $0x4000  }
0x64: {  	[sflag:s15] =	ssyncset.done $0x0  }
0x65: {  	[sflag:s15] =	ssyncadd.s32 $0xFFFFC000  }
.LBB2_4:
0x66: {  	[tilespmem:s14], [sflag:$0x1] =	stream.indirect.gather [hbm4b:s4+s18], $0x80, s22, s18, $0xb8;
	[tilespmem:$0x1E000] =	vst v63  }
0x67: {  	_ =	swait.ge [sflag:s19], $0x4000  }
0x68: {  	[sflag:s19] =	ssyncset.done $0x0  }
0x69: {  	s31 =	simm.s32 $0x3000;
	[sflag:s19] =	ssyncadd.s32 $0xFFFFC000  }
0x6a: {  	[spmem:s2] =	stream.indirect.scatter.add.f32 [tilespmem:s14], [sflag:$0x2], $0x80, s31, s18, $0xb8;
	[tilespmem:$0x1E000] =	vst v63  }
0x6b: {  	_ =	swait.ge [sflag:s15], $0x4000  }
0x6c: {  	s22 =	simm.s32 $0x200;
	s23 =	simm.s32 $0x400;
	[sflag:s15] =	ssyncset.done $0x0  }
.LBB2_5:
0x6d: {  	s24 =	sshra.s32 s22, $0x2  }
0x6e: {  	[sflag:s15] =	ssyncadd.s32 $0xFFFFC000;
	s22 =	smov.u32 s23;
	s25 =	sadd.s32 $0x200, s23  }
0x6f: {  	[tilespmem:s14], [sflag:$0x1] =	stream.indirect.gather [hbm4b:s4+s18], $0x80, s24, s18, $0xb8;
	[tilespmem:$0x1E000] =	vst v63  }
0x70: {  	p1 =	seq.s32 s23, $0xBC00;
	_ =	swait.ge [sflag:s19], $0x4000  }
.Ltmp6:
0x71: {  	[sflag:s19] =	ssyncset.done $0x0;
	(pc) =	sbr.rel @!p1 .LBB2_5-.Ltmp6, $4  }
0x72: {  	s23 =	sadd.s32 $0x3000, s24;
	[sflag:s19] =	ssyncadd.s32 $0xFFFFC000  }
0x73: {  	[spmem:s2] =	stream.indirect.scatter.add.f32 [tilespmem:s14], [sflag:$0x2], $0x80, s23, s18, $0xb8;
	[tilespmem:$0x1E000] =	vst v63  }
0x74: {  	_ =	swait.ge [sflag:s15], $0x4000  }
0x75: {  	s23 =	smov.u32 s25;
	[sflag:s15] =	ssyncset.done $0x0  }
.Ltmp7:
0x76: {  	_ = 	snop;
	(pc) =	sbr.rel .LBB2_6-.Ltmp7, $1  }
0x77: {  	_ =	sdelay $0x3  }
.LBB2_11:
0x78: {  	_ =	sfence.sel $0x180000  }
0x79: {  	[bflag:$0x0] =	sbarrier.arrive $0xFFFF  }
0x7a: {  	p0 =	sne.s32 s1, $0x0;
	_ =	strace $0x9000004D  }
0x7b: {  	s0 =	sadd.s32 @!p0 $0x100000, s0;
	[bflag:$0x2] =	sbarrier.arrive $0xFFFF  }
0x7c: {  	[sflag:s0] =	ssyncadd.tile.s32 @!p0 $0x1;
	_ =	shalt  }
.Lfunc_end2:
_tile_overlayer_lowered:
.L_overlay_start_2:
0x7d: {  	(tag) =	ssettag $0x2  }
0x7e: {  	s0 =	rddreg [dreg:$0x0];
	s2 =	stileid.u32  }
0x7f: {  	s1 =	rddreg [dreg:$0x1];
	p0 =	sne.s32 s2, $0x0  }
0x80: {  	s3 =	rddreg [dreg:$0x2];
	[bflag:$0x3] =	sbarrier.arrive $0xFFFF;
	s2 =	simm.s32 @!p0 $0x1C02  }
0x81: {  	[timem:s3], [sflag:s2] =	dma.local @!p0 [hbm:s0], s1  }
0x82: {  	s0 =	simm.s32 @!p0 $0x2  }
0x83: {  	_ =	swait.ge @!p0 [sflag:s0], s1  }
0x84: {  	s1 =	ssub.s32 @!p0 $0x0, s1;
	[sflag:s0] =	ssyncset.done @!p0 $0x0  }
0x85: {  	[sflag:s0] =	ssyncadd.s32 @!p0 s1  }
0x86: {  	[bflag:$0x3] =	sbarrier.arrive $0xFFFF  }
0x87: {  	_ =	shalt  }

// kernel: kernel.8.cloned.1.call-start
scs
__scs_entry_jumppad:
0x0: {  	(pc) =	sbr.rel $0x88, $3  }
0x1: {  	(tag) =	ssettag $0x0;
	lr =	simm.s32 $0x1  }
0x2: {  	[smem:$0x3F9B] =	sst lr;
	_ =	strace $0xD0000000  }
0x3: {  	_ = 	snop  }
0x4: {  	_ = 	snop  }
0x5: {  	_ = 	snop  }
0x6: {  	_ = 	snop  }
0x7: {  	_ = 	snop  }
__scs_overlays_trampoline_lowered:
0x8: {  	[smem:$0x3FAA] =	sst s0  }
0x9: {  	[smem:$0x3FAB] =	sst s1  }
0xa: {  	[smem:$0x3FAC] =	sst s2  }
0xb: {  	[smem:$0x3FAD] =	sst s3  }
0xc: {  	[smem:$0x3FAE] =	sst s4  }
0xd: {  	[smem:$0x3FAF] =	sst s5  }
0xe: {  	[smem:$0x3FB0] =	sst s6  }
0xf: {  	[smem:$0x3FB1] =	sst s7  }
0x10: {  	[smem:$0x3FB2] =	sst s8  }
0x11: {  	[smem:$0x3FB3] =	sst s9;
	s0 =	simm.s32 @!p0 $0x0  }
0x12: {  	s1 =	sld [smem:$0x3F99];
	s0 =	simm.s32 @p0 $0x1  }
0x13: {  	[smem:$0x3FB4] =	sst s0;
	s0 =	simm.s32 @!p1 $0x0  }
0x14: {  	s2 =	sld [smem:$0x3F98];
	s0 =	simm.s32 @p1 $0x1  }
0x15: {  	[smem:$0x3FB5] =	sst s0;
	s0 =	simm.s32 @!p2 $0x0  }
0x16: {  	s3 =	sld [smem:$0x3FDB];
	s0 =	simm.s32 @p2 $0x1  }
0x17: {  	s4 =	simm.s32 $0x1BF5;
	[smem:$0x3FB7] =	sst s0  }
0x18: {  	s0 =	sld [smem:$0x3F9A];
	_ =	swait.ge [sflag:s4], $0x0  }
0x19: {  	s7 =	sld [smem:$0x3F9B]  }
0x1a: {  	s8 =	sadd.s32 $0xFFFFE003, lr  }
0x1b: {  	s9 =	sadd.s32 $0xFFFFFEF7, lr;
	s5 =	simm.s32 $0xFFFFFFFF;
	p2 =	slt.u32 s8, $0xFFFFF086  }
0x1c: {  	p1 =	slt.u32 s9, $0xF7A;
	s5 =	simm.s32 @!p2 $0x0  }
0x1d: {  	s5 =	simm.s32 @p1 $0x1;
	p0 =	seq.s32 s7, s2  }
0x1e: {  	s7 =	smul.u32 @!p0 $0xF7A, s2;
	p2 =	seq.s32 @!p0 s5, $0x0  }
0x1f: {  	s9 =	smul.u32 $0xF7A, s1;
	s8 =	simm.s32 @!p0 $0x1BF5;
	p2 =	por !p2, p0  }
0x20: {  	[sflag:s8] =	ssyncset.s32 @!p0 $0xFFFFF086;
	s6 =	sadd.s32 @!p0 s3, s7;
	s7 =	simm.s32 @!p0 $0x108  }
0x21: {  	s3 =	sadd.s32 s3, s9;
	s6 =	sadd.s32 @!p0 $0x88, s6;
	s7 =	simm.s32 @p2 $0x1082  }
0x22: {  	[simem:s7], [sflag:s8] =	dma.local @!p0 [hbm:s6], $0xF7A  }
0x23: {  	s9 =	sor.u32 $0xD0000000, s2;
	s6 =	simm.s32 $0x108;
	_ =	swait.ge @!p0 [sflag:s8], $0x0  }
0x24: {  	s3 =	sadd.s32 $0x88, s3;
	s6 =	simm.s32 @!p1 $0x1082;
	[sflag:s4] =	ssyncset.s32 $0xFFFFF086  }
0x25: {  	[simem:s6], [sflag:s4] =	dma.local [hbm:s3], $0xF7A  }
0x26: {  	[smem:$0x3F9B] =	sst s1;
	(tag) =	ssettag s2;
	_ =	strace s9  }
0x27: {  	s1 =	sld [smem:$0x3FAB]  }
0x28: {  	s2 =	sld [smem:$0x3FAC]  }
0x29: {  	s4 =	sld [smem:$0x3FAE]  }
0x2a: {  	p0 =	seq.s32 s5, $0x0;
	s5 =	sld [smem:$0x3FAF]  }
0x2b: {  	s6 =	sld [smem:$0x3FB0]  }
0x2c: {  	s7 =	sld [smem:$0x3FB1]  }
0x2d: {  	s3 =	simm.s32 $0x108;
	s8 =	sld [smem:$0x3FB2]  }
0x2e: {  	s3 =	simm.s32 @!p0 $0x1082;
	s9 =	sld [smem:$0x3FB3]  }
0x2f: {  	lr =	sadd.s32 s0, s3;
	s0 =	sld [smem:$0x3FAA]  }
0x30: {  	s3 =	sld [smem:$0x3FAD]  }
0x31: {  	[smem:$0x3FB6] =	sst s10  }
0x32: {  	s10 =	sld [smem:$0x3FB4];
	_ =	sdelay $0x3  }
0x33: {  	p0 =	seq.s32 s10, $0x1;
	s10 =	sld [smem:$0x3FB6];
	_ =	sdelay $0x3  }
0x34: {  	[smem:$0x3FB6] =	sst s10  }
0x35: {  	s10 =	sld [smem:$0x3FB5];
	_ =	sdelay $0x3  }
0x36: {  	p1 =	seq.s32 s10, $0x1;
	s10 =	sld [smem:$0x3FB6];
	_ =	sdelay $0x3  }
0x37: {  	[smem:$0x3FB6] =	sst s10  }
0x38: {  	s10 =	sld [smem:$0x3FB7]  }
0x39: {  	_ = 	snop;
	(pc) =	sbr.ind lr, $3  }
0x3a: {  	_ = 	snop  }
0x3b: {  	_ = 	snop  }
0x3c: {  	p2 =	seq.s32 s10, $0x1;
	s10 =	sld [smem:$0x3FB6]  }
0x3d: {  	_ =	shalt  }
0x3e: {  	_ =	shalt  }
0x3f: {  	_ =	shalt  }
0x40: {  	_ =	shalt  }
0x41: {  	_ =	shalt  }
0x42: {  	_ =	shalt  }
0x43: {  	_ =	shalt  }
0x44: {  	_ =	shalt  }
0x45: {  	_ =	shalt  }
0x46: {  	_ =	shalt  }
0x47: {  	_ =	shalt  }
0x48: {  	_ =	shalt  }
0x49: {  	_ =	shalt  }
0x4a: {  	_ =	shalt  }
0x4b: {  	_ =	shalt  }
0x4c: {  	_ =	shalt  }
0x4d: {  	_ =	shalt  }
0x4e: {  	_ =	shalt  }
0x4f: {  	_ =	shalt  }
0x50: {  	_ =	shalt  }
0x51: {  	_ =	shalt  }
0x52: {  	_ =	shalt  }
0x53: {  	_ =	shalt  }
0x54: {  	_ =	shalt  }
0x55: {  	_ =	shalt  }
0x56: {  	_ =	shalt  }
0x57: {  	_ =	shalt  }
0x58: {  	_ =	shalt  }
0x59: {  	_ =	shalt  }
0x5a: {  	_ =	shalt  }
0x5b: {  	_ =	shalt  }
0x5c: {  	_ =	shalt  }
0x5d: {  	_ =	shalt  }
0x5e: {  	_ =	shalt  }
0x5f: {  	_ =	shalt  }
0x60: {  	_ =	shalt  }
0x61: {  	_ =	shalt  }
0x62: {  	_ =	shalt  }
0x63: {  	_ =	shalt  }
0x64: {  	_ =	shalt  }
0x65: {  	_ =	shalt  }
0x66: {  	_ =	shalt  }
0x67: {  	_ =	shalt  }
0x68: {  	_ =	shalt  }
0x69: {  	_ =	shalt  }
0x6a: {  	_ =	shalt  }
0x6b: {  	_ =	shalt  }
0x6c: {  	_ =	shalt  }
0x6d: {  	_ =	shalt  }
0x6e: {  	_ =	shalt  }
0x6f: {  	_ =	shalt  }
0x70: {  	_ =	shalt  }
0x71: {  	_ =	shalt  }
0x72: {  	_ =	shalt  }
0x73: {  	_ =	shalt  }
0x74: {  	_ =	shalt  }
0x75: {  	_ =	shalt  }
0x76: {  	_ =	shalt  }
0x77: {  	_ =	shalt  }
0x78: {  	_ =	shalt  }
0x79: {  	_ =	shalt  }
0x7a: {  	_ =	shalt  }
0x7b: {  	_ =	shalt  }
0x7c: {  	_ =	shalt  }
0x7d: {  	_ =	shalt  }
0x7e: {  	_ =	shalt  }
0x7f: {  	_ =	shalt  }
0x80: {  	_ =	shalt  }
0x81: {  	_ =	shalt  }
0x82: {  	_ =	shalt  }
0x83: {  	_ =	shalt  }
0x84: {  	_ =	shalt  }
0x85: {  	_ =	shalt  }
0x86: {  	_ =	shalt  }
0x87: {  	_ =	shalt  }
.Lfunc_end0:
.L_simem_size_0:
called_computation_lowered:
.L_overlay_start_0:
0x88: {  	s2 =	sld [smem:$0x3FD9]  }
0x89: {  	s3 =	sld [smem:$0x3FFE];
	_ =	sdelay $0x1  }
0x8a: {  	s1 =	srdreg.scid  }
0x8b: {  	s0 =	sand.u32 $0x1, s1  }
0x8c: {  	s16 =	sshll.u32 s0, $0xA;
	s2 =	sadd.s32 s3, s2  }
0x8d: {  	s2 =	sadd.s32 s2, s16  }
0x8e: {  	[smem:$0x3FC2] =	sst s2  }
0x8f: {  	_ = 	snop  }
0x90: {  	(tm) =	ssettm $0x1  }
0x91: {  	s17 =	sld [smem:$0x3FFB];
	_ =	sdelay $0x3  }
0x92: {  	_ =	strace s17  }
0x93: {  	s2 =	sld [smem:$0x3FFC];
	_ =	sdelay $0x3  }
0x94: {  	_ =	strace s2  }
0x95: {  	s2 =	sld [smem:$0x3FFD];
	_ =	sdelay $0x3  }
0x96: {  	_ =	strace s2  }
0x97: {  	_ =	strace $0x8FFFFFFF  }
0x98: {  	s18 =	sld [smem:$0x3FDB];
	_ =	sdelay $0x1  }
0x99: {  	s19 =	simm.s32 $_scs_section_size  }
0x9a: {  	s4 =	simm.s32 $_size__tile_overlayer_lowered;
	s5 =	simm.s32 $_tile_overlayer_lowered  }
0x9b: {  	s22 =	simm.s32 $0x1BFF;
	s21 =	sshll.u32 s5, $0x1;
	s2 =	sadd.s32 s19, s18  }
0x9c: {  	s6 =	simm.s32 $0x0;
	s20 =	sshll.u32 s4, $0x1;
	s4 =	sadd.s32 s21, s2  }
0x9d: {  	[timem:s6], [sflag:s22] =	dma.local [hbm:s4], s20  }
0x9e: {  	_ =	swait.ge [sflag:s22], s20  }
0x9f: {  	s3 =	ssub.s32 $0x0, s20;
	[sflag:s22] =	ssyncset.done $0x0  }
0xa0: {  	[sflag:s22] =	ssyncadd.s32 s3;
	_ =	sdelay $0x1  }
0xa1: {  	s23 =	simm.s32 $0x1B8B  }
0xa2: {  	_ =	swait.ge [sflag:s23], $0x1  }
0xa3: {  	[sflag:s23] =	ssyncset.done $0x0  }
0xa4: {  	s25 =	simm.s32 $0x1B8E;
	s24 =	sld [smem:$0x3FFE];
	[sflag:s23] =	ssyncadd.s32 $0xFFFFFFFF  }
0xa5: {  	s26 =	simm.s32 $execute0_lowered;
	[smem:$0x3FD2] =	sst s25  }
0xa6: {  	s4 =	sshll.u32 s26, $0x1;
	_ =	strace $0x80000046;
	[dreg:$0x1] =	wrdreg $0xFFFFFFFF  }
0xa7: {  	s28 =	simm.s32 $_size_execute0_lowered;
	s2 =	sadd.s32 s2, s4;
	[dreg:$0x0] =	wrdreg $0x0  }
0xa8: {  	s4 =	sshll.u32 s28, $0x1;
	[dreg:$0x2] =	wrdreg s2  }
0xa9: {  	[dreg:$0x3] =	wrdreg s4  }
0xaa: {  	[dreg:$0x4] =	wrdreg $0xC0  }
0xab: {  	_ =	task [dreg:s6], $0x5FFFF  }
0xac: {  	[dreg:$0x1] =	wrdreg $0xFFFFFFFF  }
0xad: {  	[dreg:$0x0] =	wrdreg $0x60  }
0xae: {  	[dreg:$0x2] =	wrdreg s24  }
0xaf: {  	[dreg:$0x3] =	wrdreg $0x53000  }
0xb0: {  	[dreg:$0x4] =	wrdreg $0x9  }
0xb1: {  	_ =	task.clear_ibuf [dreg:s6], $0x5FFFF;
	_ =	strace $0x90000046  }
0xb2: {  	s29 =	simm.s32 $0x9;
	_ =	strace $0x80000048  }
0xb3: {  	_ =	swait.ge [sflag:s29], $0x1  }
0xb4: {  	[sflag:s29] =	ssyncadd.s32 $0xFFFFFFFF  }
0xb5: {  	_ =	strace $0x90000048  }
0xb6: {  	_ =	sfence  }
0xb7: {  	s30 =	sld [smem:$0x0];
	_ =	sdelay $0x2  }
0xb8: {  	s31 =	sshll.u32 s1, $0xD;
	s1 =	sshrl.u32 s1, $0x2  }
0xb9: {  	s3 =	sand.u32 $0x4000, s31;
	s1 =	sadd.s32 s1, s30  }
0xba: {  	s0 =	sor.u32 s3, s0;
	s1 =	sshll.u32 s1, $0x11  }
0xbb: {  	s0 =	sor.u32 s1, s0  }
0xbc: {  	s0 =	sadd.s32 $0x8F2B, s0  }
0xbd: {  	[sflag:s0] =	ssyncadd.remote.s32 $0x1  }
0xbe: {  	_ =	sfence.sel $0xFFFF  }
0xbf: {  	[dreg:$0x0] =	wrdreg $0xFFFFFFFF;
	(pc) =	sbr.abs _section_cstart, $3  }
0xc0: {  	[dreg:$0x1] =	wrdreg $0xFFFFFFFF  }
0xc1: {  	_ =	task.clear_ibuf [dreg:s6], $0x2FFFF;
	_ =	strace $0x9FFFFFFF  }
0xc2: {  	(tm) =	ssettm $0x7FFFFFFF  }
0xc3: {  	_ =	shalt  }
tec
execute0_lowered:
.L_overlay_start_1:
0x0: {  	(tag) =	ssettag $0x1  }
0x1: {  	s6 =	rddreg [dreg:$0x0];
	s1 =	srdreg.scid  }
0x2: {  	s0 =	stileid.u32;
	s2 =	rddreg [dreg:$0x1]  }
0x3: {  	s3 =	simm.s32 $0x0;
	s10 =	simm.s32 $0x2600;
	s11 =	simm.s32 $0x5000  }
0x4: {  	s14 =	simm.s32 $0x20;
	s15 =	simm.s32 $0x10;
	s16 =	simm.s32 $0x0  }
0x5: {  	s4 =	sand.u32 $0x1, s1;
	s5 =	smul.u32 $0x500, s0;
	s1 =	rddreg [dreg:$0x2]  }
0x6: {  	[smem:$0x7FF] =	sst s3;
	s8 =	smul.u32 $0xA00, s0;
	s12 =	sshll.u32 s0, $0x6  }
0x7: {  	s7 =	sshll.u32 s4, $0x7;
	_ =	strace $0x80000047;
	s29 =	ssub.s32 $0x2, s4  }
0x8: {  	p0 =	seq.s32 s4, $0x0;
	s12 =	sor.u32 $0x1C01, s12;
	s5 =	sor.u32 s7, s5  }
0x9: {  	s9 =	sshrl.u32 s29, $0x1;
	s30 =	sshrl.u32 s8, $0x2;
	s10 =	simm.s32 @!p0 $0xC600  }
0xa: {  	s5 =	sshrl.u32 s5, $0x3;
	s7 =	ssub.s32 s29, s9;
	s4 =	sadd.s32 s30, s2  }
0xb: {  	s31 =	sadd.s32 s10, s6;
	s9 =	simm.s32 $0x5080;
	s10 =	simm.s32 $0x80  }
0xc: {  	s5 =	sadd.s32 s5, s6;
	s6 =	smax.u32 s7, $0x1;
	s7 =	sadd.s32 s31, s8  }
0xd: {  	v0 =	vimm.f32 $1.000000000e+00;
	v1 =	vimm.f32 $0.0e+00;
	s8 =	simm.s32 $0x1;
	s13 =	sshrl.u32 s4, $0x3;
	s5 =	sadd.s32 $0x16600, s5  }
.LBB2_1:
0xe: {  	[tilespmem:s3], [sflag:$0x1] =	stream.linear.gather [hbm4b:s7+s3], $0x4E80, $0x38;
	[tilespmem:$0x5580] =	vst v63  }
0xf: {  	_ =	swait.ge [sflag:s8], $0x4E80  }
0x10: {  	[sflag:s8] =	ssyncset.done $0x0  }
0x11: {  	[sflag:s8] =	ssyncadd.s32 $0xFFFFB180  }
0x12: {  	[tilespmem:$0x5000] =	vst v0  }
0x13: {  	[tilespmem:$0x5010] =	vst v0  }
0x14: {  	[tilespmem:$0x5020] =	vst v0  }
0x15: {  	[tilespmem:$0x5030] =	vst v0  }
0x16: {  	[tilespmem:$0x5040] =	vst v0  }
0x17: {  	[tilespmem:$0x5050] =	vst v0  }
0x18: {  	[tilespmem:$0x5060] =	vst v0  }
0x19: {  	[tilespmem:$0x5070] =	vst v0  }
0x1a: {  	[tilespmem:$0x5080] =	vst v1  }
0x1b: {  	[tilespmem:$0x5090] =	vst v1  }
0x1c: {  	[tilespmem:$0x50A0] =	vst v1  }
0x1d: {  	[tilespmem:$0x50B0] =	vst v1  }
0x1e: {  	[tilespmem:$0x50C0] =	vst v1  }
0x1f: {  	[tilespmem:$0x50D0] =	vst v1  }
0x20: {  	[tilespmem:$0x50E0] =	vst v1  }
0x21: {  	[tilespmem:$0x50F0] =	vst v1  }
0x22: {  	[tilespmem:$0x5100] =	vst v1  }
0x23: {  	[tilespmem:$0x5110] =	vst v1  }
0x24: {  	[tilespmem:$0x5120] =	vst v1  }
0x25: {  	[tilespmem:$0x5130] =	vst v1  }
0x26: {  	[tilespmem:$0x5140] =	vst v1  }
0x27: {  	[tilespmem:$0x5150] =	vst v1  }
0x28: {  	[tilespmem:$0x5160] =	vst v1  }
0x29: {  	[tilespmem:$0x5170] =	vst v1  }
0x2a: {  	[tilespmem:$0x5180] =	vst v1  }
0x2b: {  	[tilespmem:$0x5190] =	vst v1  }
0x2c: {  	[tilespmem:$0x51A0] =	vst v1  }
0x2d: {  	[tilespmem:$0x51B0] =	vst v1  }
0x2e: {  	[tilespmem:$0x51C0] =	vst v1  }
0x2f: {  	[tilespmem:$0x51D0] =	vst v1  }
0x30: {  	[tilespmem:$0x51E0] =	vst v1  }
0x31: {  	[tilespmem:$0x51F0] =	vst v1  }
0x32: {  	[tilespmem:$0x5200] =	vst v1  }
0x33: {  	[tilespmem:$0x5210] =	vst v1  }
0x34: {  	[tilespmem:$0x5220] =	vst v1  }
0x35: {  	[tilespmem:$0x5230] =	vst v1  }
0x36: {  	[tilespmem:$0x5240] =	vst v1  }
0x37: {  	[tilespmem:$0x5250] =	vst v1  }
0x38: {  	[tilespmem:$0x5260] =	vst v1  }
0x39: {  	[tilespmem:$0x5270] =	vst v1  }
0x3a: {  	[tilespmem:$0x5280] =	vst v1  }
0x3b: {  	[tilespmem:$0x5290] =	vst v1  }
0x3c: {  	[tilespmem:$0x52A0] =	vst v1  }
0x3d: {  	[tilespmem:$0x52B0] =	vst v1  }
0x3e: {  	[tilespmem:$0x52C0] =	vst v1  }
0x3f: {  	[tilespmem:$0x52D0] =	vst v1  }
0x40: {  	[tilespmem:$0x52E0] =	vst v1  }
0x41: {  	[tilespmem:$0x52F0] =	vst v1  }
0x42: {  	[spmem:s4] =	stream.linear.scatter [tilespmem:s9], [sflag:$0x1], $0x280, $0x38;
	[tilespmem:$0x5580] =	vst v63  }
0x43: {  	_ =	swait.ge [sflag:s8], $0x280  }
0x44: {  	[sflag:s8] =	ssyncset.done $0x0  }
0x45: {  	[sflag:s8] =	ssyncadd.s32 $0xFFFFFD80  }
0x46: {  	s17 =	simm.s32 $0x0;
	[bflag:$0x0] =	sbarrier.arrive $0xFFFF  }
0x47: {  	[spmem:s2] =	stream.indirect.scatter.add.f32 [tilespmem:s11], [sflag:$0x1], $0x1, s17, s10, $0xb8;
	[tilespmem:$0x5580] =	vst v63  }
0x48: {  	_ =	swait.ge [sflag:s8], $0x80  }
0x49: {  	s17 =	simm.s32 $0x200;
	[sflag:s8] =	ssyncset.done $0x0  }
.LBB2_2:
0x4a: {  	s18 =	sshra.s32 s17, $0x2;
	[sflag:s8] =	ssyncadd.s32 $0xFFFFFF80;
	p0 =	sne.s32 s17, $0x13800  }
0x4b: {  	[spmem:s2] =	stream.indirect.scatter.add.f32 [tilespmem:s11], [sflag:$0x1], $0x1, s18, s10, $0xb8;
	[tilespmem:$0x5580] =	vst v63  }
.Ltmp0:
0x4c: {  	_ = 	snop;
	(pc) =	sbr.rel @p0 .LBB2_2-.Ltmp0, $4  }
0x4d: {  	_ = 	snop  }
0x4e: {  	s17 =	sadd.s32 $0x200, s17  }
0x4f: {  	_ =	swait.ge [sflag:s8], $0x80  }
0x50: {  	[sflag:s8] =	ssyncset.done $0x0  }
0x51: {  	s16 =	sadd.s32 $0x1, s16  }
0x52: {  	[sflag:s8] =	ssyncadd.s32 $0xFFFFFF80;
	p0 =	sne.s32 s16, s6  }
.Ltmp1:
0x53: {  	[bflag:$0x0] =	sbarrier.arrive $0xFFFF;
	(pc) =	sbr.rel @p0 .LBB2_1-.Ltmp1, $4  }
0x54: {  	[hbm:s5@s14], [sflag:s12] =	dma.strided [spmem:s13@s15], $0x50, s8, $0x10   }
0x55: {  	_ =	swait.ge [sflag:s8], $0x50  }
0x56: {  	[sflag:s8] =	ssyncset.done $0x0  }
0x57: {  	[sflag:s8] =	ssyncadd.s32 $0xFFFFFFB0  }
0x58: {  	_ =	sfence.sel $0x180000  }
0x59: {  	[bflag:$0x0] =	sbarrier.arrive $0xFFFF  }
0x5a: {  	p0 =	sne.s32 s0, $0x0;
	_ =	strace $0x90000047  }
0x5b: {  	s0 =	sadd.s32 @!p0 $0x100000, s1;
	[bflag:$0x2] =	sbarrier.arrive $0xFFFF  }
0x5c: {  	[sflag:s0] =	ssyncadd.tile.s32 @!p0 $0x1;
	_ =	shalt  }
.Lfunc_end2:
_tile_overlayer_lowered:
.L_overlay_start_2:
0x5d: {  	(tag) =	ssettag $0x2  }
0x5e: {  	s0 =	rddreg [dreg:$0x0];
	s2 =	stileid.u32  }
0x5f: {  	s1 =	rddreg [dreg:$0x1];
	p0 =	sne.s32 s2, $0x0  }
0x60: {  	s3 =	rddreg [dreg:$0x2];
	[bflag:$0x3] =	sbarrier.arrive $0xFFFF;
	s2 =	simm.s32 @!p0 $0x1C01  }
0x61: {  	[timem:s3], [sflag:s2] =	dma.local @!p0 [hbm:s0], s1  }
0x62: {  	s0 =	simm.s32 @!p0 $0x1  }
0x63: {  	_ =	swait.ge @!p0 [sflag:s0], s1  }
0x64: {  	s1 =	ssub.s32 @!p0 $0x0, s1;
	[sflag:s0] =	ssyncset.done @!p0 $0x0  }
0x65: {  	[sflag:s0] =	ssyncadd.s32 @!p0 s1  }
0x66: {  	[bflag:$0x3] =	sbarrier.arrive $0xFFFF  }
0x67: {  	_ =	shalt  }

</sc_bundles>
